<compile_context>
chip_gen: v7x
topology: tpu7x:2x2x1
jax: 0.10.2.dev20260603
libtpu: 0.0.44.dev20260713+nightly
codegen_flags: <defaults>
</compile_context>

<pallas_src>
import jax
import jax.numpy as jnp
from jax import lax
from jax.experimental import pallas as pl
from jax.experimental.pallas import tpu as pltpu
from jax.experimental.pallas import tpu_sc as plsc

N = 524288
HIDDEN = 64
MAX_COORD = 64
VOCAB = (MAX_COORD + 1) ** 3
VPAD = VOCAB + 7

NC = 2
NS = 16
NW = NC * NS
PER_W = N // NW
CHUNK = 256
NCHUNK = PER_W // CHUNK
GCH = 128
NG = CHUNK // GCH


def _body(xcol, ycol, zcol, embed, out, cv0, cv1, idx0, idx1, rows0, rows1,
          csem0, csem1, gsem0, gsem1, osem0, osem1):
  cvs = (cv0, cv1)
  idxs = (idx0, idx1)
  rowss = (rows0, rows1)
  csems = (csem0, csem1)
  gsems = (gsem0, gsem1)
  osems = (osem0, osem1)
  cols = (xcol, ycol, zcol)

  wid = lax.axis_index("s") * NC + lax.axis_index("c")
  base = wid * PER_W

  def coords_copies(c, b):
    cbase = base + c * CHUNK
    return [
        pltpu.make_async_copy(
            cols[j].at[pl.ds(cbase, CHUNK)], cvs[b].at[j], csems[b]
        )
        for j in range(3)
    ]

  def out_copy(c, b):
    cbase = base + c * CHUNK
    return pltpu.make_async_copy(
        rowss[b],
        out.at[pl.ds(cbase, CHUNK), :],
        osems[b],
    )

  def gathers(b):
    return [
        pltpu.make_async_copy(
            embed.at[idxs[b].at[g]],
            rowss[b].at[pl.ds(g * GCH, GCH)],
            gsems[b],
        )
        for g in range(NG)
    ]

  def fire(c, b, guarded):
    for cp in coords_copies(c, b):
      cp.wait()

    cv = cvs[b]
    idxv = idxs[b]
    for g in range(NG):

      @pl.loop(0, GCH // 16)
      def _grp(k):
        s = pl.ds(g * GCH + k * 16, 16)
        x = jnp.clip(cv[0, s], 0, MAX_COORD)
        y = jnp.clip(cv[1, s], 0, MAX_COORD)
        z = jnp.clip(cv[2, s], 0, MAX_COORD)
        idxv[g, pl.ds(k * 16, 16)] = (
            x * ((MAX_COORD + 1) ** 2) + y * (MAX_COORD + 1) + z
        )

    if guarded:

      @pl.when(c < NCHUNK - 2)
      def _():
        for cp in coords_copies(c + 2, b):
          cp.start()

      @pl.when(c >= 2)
      def _():
        out_copy(c, b).wait()

    else:
      for cp in coords_copies(c + 2, b):
        cp.start()

    for cp in gathers(b):
      cp.start()

  def drain(c, b):
    for cp in gathers(b):
      cp.wait()
    out_copy(c, b).start()

  for cp in coords_copies(0, 0):
    cp.start()
  for cp in coords_copies(1, 1):
    cp.start()
  fire(0, 0, guarded=False)

  @pl.loop(1, NCHUNK)
  def _iter(c):
    b = c % 2

    @pl.when(b == 0)
    def _():
      fire(c, 0, guarded=True)
      drain(c - 1, 1)

    @pl.when(b == 1)
    def _():
      fire(c, 1, guarded=True)
      drain(c - 1, 0)

  drain(NCHUNK - 1, 1)

  for b, c in ((0, NCHUNK - 2), (1, NCHUNK - 1)):
    out_copy(c, b).wait()


@jax.jit
def kernel(coords, embed):
  coords = coords.astype(jnp.int32)
  xcol = coords[:, 1]
  ycol = coords[:, 2]
  zcol = coords[:, 3]
  embedp = jnp.pad(embed, ((0, VPAD - VOCAB), (0, 128 - HIDDEN)))

  mesh = plsc.VectorSubcoreMesh(core_axis_name="c", subcore_axis_name="s")
  f = pl.kernel(
      _body,
      out_type=jax.ShapeDtypeStruct((N, 128), jnp.float32),
      mesh=mesh,
      scratch_types=[
          pltpu.VMEM((3, CHUNK), jnp.int32),
          pltpu.VMEM((3, CHUNK), jnp.int32),
          pltpu.VMEM((NG, GCH), jnp.int32),
          pltpu.VMEM((NG, GCH), jnp.int32),
          pltpu.VMEM((CHUNK, 128), jnp.float32),
          pltpu.VMEM((CHUNK, 128), jnp.float32),
          pltpu.SemaphoreType.DMA,
          pltpu.SemaphoreType.DMA,
          pltpu.SemaphoreType.DMA,
          pltpu.SemaphoreType.DMA,
          pltpu.SemaphoreType.DMA,
          pltpu.SemaphoreType.DMA,
      ],
      compiler_params=pltpu.CompilerParams(use_tc_tiling_on_sc=False),
  )
  out128 = f(xcol, ycol, zcol, embedp)
  return out128[:, :HIDDEN]

# --- scband reference (transcript-rebuilt; emitter-appended) ---
"""Pipeline reference for scband-position-encoder3-d-54236847014209 (READ-ONLY COPY).

The authoritative reference and input builder live on the scoring server;
editing this copy changes nothing except your own understanding.
"""

import jax, jax.numpy as jnp
import numpy as np

N = 524288
HIDDEN = 64
MAX_COORD = 64
VOCAB = (MAX_COORD + 1) ** 3


def setup_inputs(seed: int = 0) -> dict:
    key = jax.random.key(seed)
    k1, k2 = jax.random.split(key)
    coords = jax.random.randint(k1, (N, 4), 0, MAX_COORD + 1)
    embed = jax.random.normal(k2, (VOCAB, HIDDEN), dtype=jnp.float32) * 0.02
    return {"coords": coords, "embed": embed}


def reference(coords, embed):
    # mode == 'learned': flatten (x, y, z) voxel coords into a single index and look up embedding
    x = jnp.clip(coords[:, 1].astype(jnp.int32), 0, MAX_COORD)
    y = jnp.clip(coords[:, 2].astype(jnp.int32), 0, MAX_COORD)
    z = jnp.clip(coords[:, 3].astype(jnp.int32), 0, MAX_COORD)
    idx = x * (MAX_COORD + 1) ** 2 + y * (MAX_COORD + 1) + z
    return jnp.take(embed, idx, axis=0)

if __name__ == "__main__":
    import jax
    _d = setup_inputs()
    print(jax.jit(kernel)(*tuple(_d.values())))

</pallas_src>

<mosaic_0001>
#map = affine_map<(d0, d1) -> (0)>
#map1 = affine_map<(d0, d1) -> (0, 0)>
module attributes {stable_mosaic.version = 14 : i64} {
  func.func @_body(%arg0: i32, %arg1: i32, %arg2: memref<524288xi32, #tpu.memory_space<hbm>>, %arg3: memref<524288xi32, #tpu.memory_space<hbm>>, %arg4: memref<524288xi32, #tpu.memory_space<hbm>>, %arg5: memref<274632x128xf32, #tpu.memory_space<hbm>>, %arg6: memref<524288x128xf32, #tpu.memory_space<hbm>>, %arg7: memref<3x256xi32, #tpu.memory_space<vmem>>, %arg8: memref<3x256xi32, #tpu.memory_space<vmem>>, %arg9: memref<2x128xi32, #tpu.memory_space<vmem>>, %arg10: memref<2x128xi32, #tpu.memory_space<vmem>>, %arg11: memref<256x128xf32, #tpu.memory_space<vmem>>, %arg12: memref<256x128xf32, #tpu.memory_space<vmem>>, %arg13: memref<!tpu.dma_semaphore, #tpu.memory_space<semaphore_mem>>, %arg14: memref<!tpu.dma_semaphore, #tpu.memory_space<semaphore_mem>>, %arg15: memref<!tpu.dma_semaphore, #tpu.memory_space<semaphore_mem>>, %arg16: memref<!tpu.dma_semaphore, #tpu.memory_space<semaphore_mem>>, %arg17: memref<!tpu.dma_semaphore, #tpu.memory_space<semaphore_mem>>, %arg18: memref<!tpu.dma_semaphore, #tpu.memory_space<semaphore_mem>>) attributes {dimension_semantics = [#tpu.dimension_semantics<core_parallel>, #tpu.dimension_semantics<subcore_parallel>], iteration_bounds = array<i64: 2, 16>, scalar_prefetch = 0 : i64, scratch_operands = 12 : i64, tpu.core_type = #tpu.core_type<sc_vector_subcore>, window_params = [{transform_indices = #map}, {transform_indices = #map}, {transform_indices = #map}, {transform_indices = #map1}, {transform_indices = #map1}]} {
    %mul3A = arith.constant 2 : i32
    %mul3A_0 = arith.muli %arg1, %mul3A : i32
    %add3A = arith.addi %mul3A_0, %arg0 : i32
    %mul3A_1 = arith.constant 16384 : i32
    %mul3A_2 = arith.muli %add3A, %mul3A_1 : i32
    %add3A_3 = arith.constant 0 : i32
    %add3A_4 = arith.addi %mul3A_2, %add3A_3 : i32
    %dma_start3A = arith.constant 0 : i32
    %dma_start3A_5 = arith.constant 0 : i32
    %dma_start3A_6 = tpu.memref_slice %arg7[%dma_start3A, %dma_start3A_5] : memref<3x256xi32, #tpu.memory_space<vmem>> -> memref<1x256xi32, #tpu.memory_space<vmem>>
    %dma_start3A_7 = tpu.memref_squeeze %dma_start3A_6 : memref<1x256xi32, #tpu.memory_space<vmem>> -> memref<256xi32, #tpu.memory_space<vmem>>
    %dma_start3A_8 = tpu.memref_slice %arg2[%add3A_4] : memref<524288xi32, #tpu.memory_space<hbm>> -> memref<256xi32, #tpu.memory_space<hbm>>
    %dma_start3A_9 = arith.constant 0 : i32
    %dma_start3A_10 = tpu.memref_slice %arg7[%dma_start3A, %dma_start3A_9] : memref<3x256xi32, #tpu.memory_space<vmem>> -> memref<1x256xi32, #tpu.memory_space<vmem>>
    %dma_start3A_11 = tpu.memref_squeeze %dma_start3A_10 : memref<1x256xi32, #tpu.memory_space<vmem>> -> memref<256xi32, #tpu.memory_space<vmem>>
    %dma_start3A_12 = tpu.memref_slice %arg2[%add3A_4] : memref<524288xi32, #tpu.memory_space<hbm>> -> memref<256xi32, #tpu.memory_space<hbm>>
    tpu.enqueue_dma source(%dma_start3A_12 : memref<256xi32, #tpu.memory_space<hbm>>) target(%dma_start3A_11 : memref<256xi32, #tpu.memory_space<vmem>>) target_semaphore(%arg13 : memref<!tpu.dma_semaphore, #tpu.memory_space<semaphore_mem>>)
    %dma_start3A_13 = arith.constant 1 : i32
    %dma_start3A_14 = arith.constant 0 : i32
    %dma_start3A_15 = tpu.memref_slice %arg7[%dma_start3A_13, %dma_start3A_14] : memref<3x256xi32, #tpu.memory_space<vmem>> -> memref<1x256xi32, #tpu.memory_space<vmem>>
    %dma_start3A_16 = tpu.memref_squeeze %dma_start3A_15 : memref<1x256xi32, #tpu.memory_space<vmem>> -> memref<256xi32, #tpu.memory_space<vmem>>
    %dma_start3A_17 = tpu.memref_slice %arg3[%add3A_4] : memref<524288xi32, #tpu.memory_space<hbm>> -> memref<256xi32, #tpu.memory_space<hbm>>
    %dma_start3A_18 = arith.constant 0 : i32
    %dma_start3A_19 = tpu.memref_slice %arg7[%dma_start3A_13, %dma_start3A_18] : memref<3x256xi32, #tpu.memory_space<vmem>> -> memref<1x256xi32, #tpu.memory_space<vmem>>
    %dma_start3A_20 = tpu.memref_squeeze %dma_start3A_19 : memref<1x256xi32, #tpu.memory_space<vmem>> -> memref<256xi32, #tpu.memory_space<vmem>>
    %dma_start3A_21 = tpu.memref_slice %arg3[%add3A_4] : memref<524288xi32, #tpu.memory_space<hbm>> -> memref<256xi32, #tpu.memory_space<hbm>>
    tpu.enqueue_dma source(%dma_start3A_21 : memref<256xi32, #tpu.memory_space<hbm>>) target(%dma_start3A_20 : memref<256xi32, #tpu.memory_space<vmem>>) target_semaphore(%arg13 : memref<!tpu.dma_semaphore, #tpu.memory_space<semaphore_mem>>)
    %dma_start3A_22 = arith.constant 2 : i32
    %dma_start3A_23 = arith.constant 0 : i32
    %dma_start3A_24 = tpu.memref_slice %arg7[%dma_start3A_22, %dma_start3A_23] : memref<3x256xi32, #tpu.memory_space<vmem>> -> memref<1x256xi32, #tpu.memory_space<vmem>>
    %dma_start3A_25 = tpu.memref_squeeze %dma_start3A_24 : memref<1x256xi32, #tpu.memory_space<vmem>> -> memref<256xi32, #tpu.memory_space<vmem>>
    %dma_start3A_26 = tpu.memref_slice %arg4[%add3A_4] : memref<524288xi32, #tpu.memory_space<hbm>> -> memref<256xi32, #tpu.memory_space<hbm>>
    %dma_start3A_27 = arith.constant 0 : i32
    %dma_start3A_28 = tpu.memref_slice %arg7[%dma_start3A_22, %dma_start3A_27] : memref<3x256xi32, #tpu.memory_space<vmem>> -> memref<1x256xi32, #tpu.memory_space<vmem>>
    %dma_start3A_29 = tpu.memref_squeeze %dma_start3A_28 : memref<1x256xi32, #tpu.memory_space<vmem>> -> memref<256xi32, #tpu.memory_space<vmem>>
    %dma_start3A_30 = tpu.memref_slice %arg4[%add3A_4] : memref<524288xi32, #tpu.memory_space<hbm>> -> memref<256xi32, #tpu.memory_space<hbm>>
    tpu.enqueue_dma source(%dma_start3A_30 : memref<256xi32, #tpu.memory_space<hbm>>) target(%dma_start3A_29 : memref<256xi32, #tpu.memory_space<vmem>>) target_semaphore(%arg13 : memref<!tpu.dma_semaphore, #tpu.memory_space<semaphore_mem>>)
    %add3A_31 = arith.constant 256 : i32
    %add3A_32 = arith.addi %mul3A_2, %add3A_31 : i32
    %dma_start3A_33 = arith.constant 0 : i32
    %dma_start3A_34 = arith.constant 0 : i32
    %dma_start3A_35 = tpu.memref_slice %arg8[%dma_start3A_33, %dma_start3A_34] : memref<3x256xi32, #tpu.memory_space<vmem>> -> memref<1x256xi32, #tpu.memory_space<vmem>>
    %dma_start3A_36 = tpu.memref_squeeze %dma_start3A_35 : memref<1x256xi32, #tpu.memory_space<vmem>> -> memref<256xi32, #tpu.memory_space<vmem>>
    %dma_start3A_37 = tpu.memref_slice %arg2[%add3A_32] : memref<524288xi32, #tpu.memory_space<hbm>> -> memref<256xi32, #tpu.memory_space<hbm>>
    %dma_start3A_38 = arith.constant 0 : i32
    %dma_start3A_39 = tpu.memref_slice %arg8[%dma_start3A_33, %dma_start3A_38] : memref<3x256xi32, #tpu.memory_space<vmem>> -> memref<1x256xi32, #tpu.memory_space<vmem>>
    %dma_start3A_40 = tpu.memref_squeeze %dma_start3A_39 : memref<1x256xi32, #tpu.memory_space<vmem>> -> memref<256xi32, #tpu.memory_space<vmem>>
    %dma_start3A_41 = tpu.memref_slice %arg2[%add3A_32] : memref<524288xi32, #tpu.memory_space<hbm>> -> memref<256xi32, #tpu.memory_space<hbm>>
    tpu.enqueue_dma source(%dma_start3A_41 : memref<256xi32, #tpu.memory_space<hbm>>) target(%dma_start3A_40 : memref<256xi32, #tpu.memory_space<vmem>>) target_semaphore(%arg14 : memref<!tpu.dma_semaphore, #tpu.memory_space<semaphore_mem>>)
    %dma_start3A_42 = arith.constant 1 : i32
    %dma_start3A_43 = arith.constant 0 : i32
    %dma_start3A_44 = tpu.memref_slice %arg8[%dma_start3A_42, %dma_start3A_43] : memref<3x256xi32, #tpu.memory_space<vmem>> -> memref<1x256xi32, #tpu.memory_space<vmem>>
    %dma_start3A_45 = tpu.memref_squeeze %dma_start3A_44 : memref<1x256xi32, #tpu.memory_space<vmem>> -> memref<256xi32, #tpu.memory_space<vmem>>
    %dma_start3A_46 = tpu.memref_slice %arg3[%add3A_32] : memref<524288xi32, #tpu.memory_space<hbm>> -> memref<256xi32, #tpu.memory_space<hbm>>
    %dma_start3A_47 = arith.constant 0 : i32
    %dma_start3A_48 = tpu.memref_slice %arg8[%dma_start3A_42, %dma_start3A_47] : memref<3x256xi32, #tpu.memory_space<vmem>> -> memref<1x256xi32, #tpu.memory_space<vmem>>
    %dma_start3A_49 = tpu.memref_squeeze %dma_start3A_48 : memref<1x256xi32, #tpu.memory_space<vmem>> -> memref<256xi32, #tpu.memory_space<vmem>>
    %dma_start3A_50 = tpu.memref_slice %arg3[%add3A_32] : memref<524288xi32, #tpu.memory_space<hbm>> -> memref<256xi32, #tpu.memory_space<hbm>>
    tpu.enqueue_dma source(%dma_start3A_50 : memref<256xi32, #tpu.memory_space<hbm>>) target(%dma_start3A_49 : memref<256xi32, #tpu.memory_space<vmem>>) target_semaphore(%arg14 : memref<!tpu.dma_semaphore, #tpu.memory_space<semaphore_mem>>)
    %dma_start3A_51 = arith.constant 2 : i32
    %dma_start3A_52 = arith.constant 0 : i32
    %dma_start3A_53 = tpu.memref_slice %arg8[%dma_start3A_51, %dma_start3A_52] : memref<3x256xi32, #tpu.memory_space<vmem>> -> memref<1x256xi32, #tpu.memory_space<vmem>>
    %dma_start3A_54 = tpu.memref_squeeze %dma_start3A_53 : memref<1x256xi32, #tpu.memory_space<vmem>> -> memref<256xi32, #tpu.memory_space<vmem>>
    %dma_start3A_55 = tpu.memref_slice %arg4[%add3A_32] : memref<524288xi32, #tpu.memory_space<hbm>> -> memref<256xi32, #tpu.memory_space<hbm>>
    %dma_start3A_56 = arith.constant 0 : i32
    %dma_start3A_57 = tpu.memref_slice %arg8[%dma_start3A_51, %dma_start3A_56] : memref<3x256xi32, #tpu.memory_space<vmem>> -> memref<1x256xi32, #tpu.memory_space<vmem>>
    %dma_start3A_58 = tpu.memref_squeeze %dma_start3A_57 : memref<1x256xi32, #tpu.memory_space<vmem>> -> memref<256xi32, #tpu.memory_space<vmem>>
    %dma_start3A_59 = tpu.memref_slice %arg4[%add3A_32] : memref<524288xi32, #tpu.memory_space<hbm>> -> memref<256xi32, #tpu.memory_space<hbm>>
    tpu.enqueue_dma source(%dma_start3A_59 : memref<256xi32, #tpu.memory_space<hbm>>) target(%dma_start3A_58 : memref<256xi32, #tpu.memory_space<vmem>>) target_semaphore(%arg14 : memref<!tpu.dma_semaphore, #tpu.memory_space<semaphore_mem>>)
    %add3A_60 = arith.constant 0 : i32
    %add3A_61 = arith.addi %mul3A_2, %add3A_60 : i32
    %dma_wait3A = arith.constant 0 : i32
    %dma_wait3A_62 = arith.constant 0 : i32
    %dma_wait3A_63 = tpu.memref_slice %arg7[%dma_wait3A, %dma_wait3A_62] : memref<3x256xi32, #tpu.memory_space<vmem>> -> memref<1x256xi32, #tpu.memory_space<vmem>>
    %dma_wait3A_64 = tpu.memref_squeeze %dma_wait3A_63 : memref<1x256xi32, #tpu.memory_space<vmem>> -> memref<256xi32, #tpu.memory_space<vmem>>
    %dma_wait3A_65 = tpu.memref_slice %arg2[%add3A_61] : memref<524288xi32, #tpu.memory_space<hbm>> -> memref<256xi32, #tpu.memory_space<hbm>>
    %dma_wait3A_66 = arith.constant 0 : i32
    %dma_wait3A_67 = tpu.memref_slice %arg7[%dma_wait3A, %dma_wait3A_66] : memref<3x256xi32, #tpu.memory_space<vmem>> -> memref<1x256xi32, #tpu.memory_space<vmem>>
    %dma_wait3A_68 = tpu.memref_squeeze %dma_wait3A_67 : memref<1x256xi32, #tpu.memory_space<vmem>> -> memref<256xi32, #tpu.memory_space<vmem>>
    %dma_wait3A_69 = tpu.memref_slice %arg2[%add3A_61] : memref<524288xi32, #tpu.memory_space<hbm>> -> memref<256xi32, #tpu.memory_space<hbm>>
    tpu.wait_dma2 semaphore(%arg13 : memref<!tpu.dma_semaphore, #tpu.memory_space<semaphore_mem>>) src(%dma_wait3A_69 : memref<256xi32, #tpu.memory_space<hbm>>) dst(%dma_wait3A_68 : memref<256xi32, #tpu.memory_space<vmem>>)
    %dma_wait3A_70 = arith.constant 1 : i32
    %dma_wait3A_71 = arith.constant 0 : i32
    %dma_wait3A_72 = tpu.memref_slice %arg7[%dma_wait3A_70, %dma_wait3A_71] : memref<3x256xi32, #tpu.memory_space<vmem>> -> memref<1x256xi32, #tpu.memory_space<vmem>>
    %dma_wait3A_73 = tpu.memref_squeeze %dma_wait3A_72 : memref<1x256xi32, #tpu.memory_space<vmem>> -> memref<256xi32, #tpu.memory_space<vmem>>
    %dma_wait3A_74 = tpu.memref_slice %arg3[%add3A_61] : memref<524288xi32, #tpu.memory_space<hbm>> -> memref<256xi32, #tpu.memory_space<hbm>>
    %dma_wait3A_75 = arith.constant 0 : i32
    %dma_wait3A_76 = tpu.memref_slice %arg7[%dma_wait3A_70, %dma_wait3A_75] : memref<3x256xi32, #tpu.memory_space<vmem>> -> memref<1x256xi32, #tpu.memory_space<vmem>>
    %dma_wait3A_77 = tpu.memref_squeeze %dma_wait3A_76 : memref<1x256xi32, #tpu.memory_space<vmem>> -> memref<256xi32, #tpu.memory_space<vmem>>
    %dma_wait3A_78 = tpu.memref_slice %arg3[%add3A_61] : memref<524288xi32, #tpu.memory_space<hbm>> -> memref<256xi32, #tpu.memory_space<hbm>>
    tpu.wait_dma2 semaphore(%arg13 : memref<!tpu.dma_semaphore, #tpu.memory_space<semaphore_mem>>) src(%dma_wait3A_78 : memref<256xi32, #tpu.memory_space<hbm>>) dst(%dma_wait3A_77 : memref<256xi32, #tpu.memory_space<vmem>>)
    %dma_wait3A_79 = arith.constant 2 : i32
    %dma_wait3A_80 = arith.constant 0 : i32
    %dma_wait3A_81 = tpu.memref_slice %arg7[%dma_wait3A_79, %dma_wait3A_80] : memref<3x256xi32, #tpu.memory_space<vmem>> -> memref<1x256xi32, #tpu.memory_space<vmem>>
    %dma_wait3A_82 = tpu.memref_squeeze %dma_wait3A_81 : memref<1x256xi32, #tpu.memory_space<vmem>> -> memref<256xi32, #tpu.memory_space<vmem>>
    %dma_wait3A_83 = tpu.memref_slice %arg4[%add3A_61] : memref<524288xi32, #tpu.memory_space<hbm>> -> memref<256xi32, #tpu.memory_space<hbm>>
    %dma_wait3A_84 = arith.constant 0 : i32
    %dma_wait3A_85 = tpu.memref_slice %arg7[%dma_wait3A_79, %dma_wait3A_84] : memref<3x256xi32, #tpu.memory_space<vmem>> -> memref<1x256xi32, #tpu.memory_space<vmem>>
    %dma_wait3A_86 = tpu.memref_squeeze %dma_wait3A_85 : memref<1x256xi32, #tpu.memory_space<vmem>> -> memref<256xi32, #tpu.memory_space<vmem>>
    %dma_wait3A_87 = tpu.memref_slice %arg4[%add3A_61] : memref<524288xi32, #tpu.memory_space<hbm>> -> memref<256xi32, #tpu.memory_space<hbm>>
    tpu.wait_dma2 semaphore(%arg13 : memref<!tpu.dma_semaphore, #tpu.memory_space<semaphore_mem>>) src(%dma_wait3A_87 : memref<256xi32, #tpu.memory_space<hbm>>) dst(%dma_wait3A_86 : memref<256xi32, #tpu.memory_space<vmem>>)
    %scan3A = arith.constant 0 : i32
    %scan3A_88 = arith.constant 8 : i32
    %scan3A_89 = arith.addi %scan3A, %scan3A_88 : i32
    %scan3A_90 = arith.constant 1 : i32
    scf.for %scan3A_189 = %scan3A to %scan3A_89 step %scan3A_90  : i32 {
      %mul3A_190 = arith.constant 1 : i32
      %mul3A_191 = arith.muli %scan3A_189, %mul3A_190 : i32
      %add3A_192 = arith.constant 0 : i32
      %add3A_193 = arith.addi %add3A_192, %mul3A_191 : i32
      %mul3A_194 = arith.constant 16 : i32
      %mul3A_195 = arith.muli %add3A_193, %mul3A_194 : i32
      %add3A_196 = arith.constant 0 : i32
      %add3A_197 = arith.addi %add3A_196, %mul3A_195 : i32
      %get3A = arith.constant 0 : i32
      %get3A_198 = arith.index_cast %get3A : i32 to index
      %get3A_199 = arith.index_cast %add3A_197 : i32 to index
      %get3A_200 = tpu.vector_load %arg7[%get3A_198, %get3A_199] {strides = array<i32>} : memref<3x256xi32, #tpu.memory_space<vmem>>, vector<1x16xi32>,
      %get3A_201 = vector.shape_cast %get3A_200 : vector<1x16xi32> to vector<16xi32>
      %jit3A = arith.constant 0 : i32
      %jit3A_202 = arith.constant 64 : i32
      %max3A = vector.broadcast %jit3A : i32 to vector<16xi32>
      %max3A_203 = arith.maxsi %max3A, %get3A_201 : vector<16xi32>
      %min3A = vector.broadcast %jit3A_202 : i32 to vector<16xi32>
      %min3A_204 = arith.minsi %min3A, %max3A_203 : vector<16xi32>
      %get3A_205 = arith.constant 1 : i32
      %get3A_206 = arith.index_cast %get3A_205 : i32 to index
      %get3A_207 = arith.index_cast %add3A_197 : i32 to index
      %get3A_208 = tpu.vector_load %arg7[%get3A_206, %get3A_207] {strides = array<i32>} : memref<3x256xi32, #tpu.memory_space<vmem>>, vector<1x16xi32>,
      %get3A_209 = vector.shape_cast %get3A_208 : vector<1x16xi32> to vector<16xi32>
      %jit3A_210 = arith.constant 0 : i32
      %jit3A_211 = arith.constant 64 : i32
      %max3A_212 = vector.broadcast %jit3A_210 : i32 to vector<16xi32>
      %max3A_213 = arith.maxsi %max3A_212, %get3A_209 : vector<16xi32>
      %min3A_214 = vector.broadcast %jit3A_211 : i32 to vector<16xi32>
      %min3A_215 = arith.minsi %min3A_214, %max3A_213 : vector<16xi32>
      %get3A_216 = arith.constant 2 : i32
      %get3A_217 = arith.index_cast %get3A_216 : i32 to index
      %get3A_218 = arith.index_cast %add3A_197 : i32 to index
      %get3A_219 = tpu.vector_load %arg7[%get3A_217, %get3A_218] {strides = array<i32>} : memref<3x256xi32, #tpu.memory_space<vmem>>, vector<1x16xi32>,
      %get3A_220 = vector.shape_cast %get3A_219 : vector<1x16xi32> to vector<16xi32>
      %jit3A_221 = arith.constant 0 : i32
      %jit3A_222 = arith.constant 64 : i32
      %max3A_223 = vector.broadcast %jit3A_221 : i32 to vector<16xi32>
      %max3A_224 = arith.maxsi %max3A_223, %get3A_220 : vector<16xi32>
      %min3A_225 = vector.broadcast %jit3A_222 : i32 to vector<16xi32>
      %min3A_226 = arith.minsi %min3A_225, %max3A_224 : vector<16xi32>
      %mul3A_227 = arith.constant 4225 : i32
      %mul3A_228 = vector.broadcast %mul3A_227 : i32 to vector<16xi32>
      %mul3A_229 = arith.muli %min3A_204, %mul3A_228 : vector<16xi32>
      %mul3A_230 = arith.constant 65 : i32
      %mul3A_231 = vector.broadcast %mul3A_230 : i32 to vector<16xi32>
      %mul3A_232 = arith.muli %min3A_215, %mul3A_231 : vector<16xi32>
      %add3A_233 = arith.addi %mul3A_229, %mul3A_232 : vector<16xi32>
      %add3A_234 = arith.addi %add3A_233, %min3A_226 : vector<16xi32>
      %mul3A_235 = arith.constant 16 : i32
      %mul3A_236 = arith.muli %add3A_193, %mul3A_235 : i32
      %swap3A = arith.constant 0 : i32
      %swap3A_237 = arith.index_cast %swap3A : i32 to index
      %swap3A_238 = arith.index_cast %mul3A_236 : i32 to index
      %swap3A_239 = tpu.vector_load %arg9[%swap3A_237, %swap3A_238] {strides = array<i32>} : memref<2x128xi32, #tpu.memory_space<vmem>>, vector<1x16xi32>,
      %swap3A_240 = vector.shape_cast %swap3A_239 : vector<1x16xi32> to vector<16xi32>
      %swap3A_241 = vector.shape_cast %add3A_234 : vector<16xi32> to vector<1x16xi32>
      tpu.vector_store %arg9[%swap3A_237, %swap3A_238], %swap3A_241 {strides = array<i32>} : memref<2x128xi32, #tpu.memory_space<vmem>>, vector<1x16xi32>,
    }
    %scan3A_91 = arith.constant 8 : i32
    %scan3A_92 = arith.constant 0 : i32
    %scan3A_93 = arith.constant 8 : i32
    %scan3A_94 = arith.addi %scan3A_92, %scan3A_93 : i32
    %scan3A_95 = arith.constant 1 : i32
    scf.for %scan3A_189 = %scan3A_92 to %scan3A_94 step %scan3A_95  : i32 {
      %mul3A_190 = arith.constant 1 : i32
      %mul3A_191 = arith.muli %scan3A_189, %mul3A_190 : i32
      %add3A_192 = arith.constant 0 : i32
      %add3A_193 = arith.addi %add3A_192, %mul3A_191 : i32
      %mul3A_194 = arith.constant 16 : i32
      %mul3A_195 = arith.muli %add3A_193, %mul3A_194 : i32
      %add3A_196 = arith.constant 128 : i32
      %add3A_197 = arith.addi %add3A_196, %mul3A_195 : i32
      %get3A = arith.constant 0 : i32
      %get3A_198 = arith.index_cast %get3A : i32 to index
      %get3A_199 = arith.index_cast %add3A_197 : i32 to index
      %get3A_200 = tpu.vector_load %arg7[%get3A_198, %get3A_199] {strides = array<i32>} : memref<3x256xi32, #tpu.memory_space<vmem>>, vector<1x16xi32>,
      %get3A_201 = vector.shape_cast %get3A_200 : vector<1x16xi32> to vector<16xi32>
      %jit3A = arith.constant 0 : i32
      %jit3A_202 = arith.constant 64 : i32
      %max3A = vector.broadcast %jit3A : i32 to vector<16xi32>
      %max3A_203 = arith.maxsi %max3A, %get3A_201 : vector<16xi32>
      %min3A = vector.broadcast %jit3A_202 : i32 to vector<16xi32>
      %min3A_204 = arith.minsi %min3A, %max3A_203 : vector<16xi32>
      %get3A_205 = arith.constant 1 : i32
      %get3A_206 = arith.index_cast %get3A_205 : i32 to index
      %get3A_207 = arith.index_cast %add3A_197 : i32 to index
      %get3A_208 = tpu.vector_load %arg7[%get3A_206, %get3A_207] {strides = array<i32>} : memref<3x256xi32, #tpu.memory_space<vmem>>, vector<1x16xi32>,
      %get3A_209 = vector.shape_cast %get3A_208 : vector<1x16xi32> to vector<16xi32>
      %jit3A_210 = arith.constant 0 : i32
      %jit3A_211 = arith.constant 64 : i32
      %max3A_212 = vector.broadcast %jit3A_210 : i32 to vector<16xi32>
      %max3A_213 = arith.maxsi %max3A_212, %get3A_209 : vector<16xi32>
      %min3A_214 = vector.broadcast %jit3A_211 : i32 to vector<16xi32>
      %min3A_215 = arith.minsi %min3A_214, %max3A_213 : vector<16xi32>
      %get3A_216 = arith.constant 2 : i32
      %get3A_217 = arith.index_cast %get3A_216 : i32 to index
      %get3A_218 = arith.index_cast %add3A_197 : i32 to index
      %get3A_219 = tpu.vector_load %arg7[%get3A_217, %get3A_218] {strides = array<i32>} : memref<3x256xi32, #tpu.memory_space<vmem>>, vector<1x16xi32>,
      %get3A_220 = vector.shape_cast %get3A_219 : vector<1x16xi32> to vector<16xi32>
      %jit3A_221 = arith.constant 0 : i32
      %jit3A_222 = arith.constant 64 : i32
      %max3A_223 = vector.broadcast %jit3A_221 : i32 to vector<16xi32>
      %max3A_224 = arith.maxsi %max3A_223, %get3A_220 : vector<16xi32>
      %min3A_225 = vector.broadcast %jit3A_222 : i32 to vector<16xi32>
      %min3A_226 = arith.minsi %min3A_225, %max3A_224 : vector<16xi32>
      %mul3A_227 = arith.constant 4225 : i32
      %mul3A_228 = vector.broadcast %mul3A_227 : i32 to vector<16xi32>
      %mul3A_229 = arith.muli %min3A_204, %mul3A_228 : vector<16xi32>
      %mul3A_230 = arith.constant 65 : i32
      %mul3A_231 = vector.broadcast %mul3A_230 : i32 to vector<16xi32>
      %mul3A_232 = arith.muli %min3A_215, %mul3A_231 : vector<16xi32>
      %add3A_233 = arith.addi %mul3A_229, %mul3A_232 : vector<16xi32>
      %add3A_234 = arith.addi %add3A_233, %min3A_226 : vector<16xi32>
      %mul3A_235 = arith.constant 16 : i32
      %mul3A_236 = arith.muli %add3A_193, %mul3A_235 : i32
      %swap3A = arith.constant 1 : i32
      %swap3A_237 = arith.index_cast %swap3A : i32 to index
      %swap3A_238 = arith.index_cast %mul3A_236 : i32 to index
      %swap3A_239 = tpu.vector_load %arg9[%swap3A_237, %swap3A_238] {strides = array<i32>} : memref<2x128xi32, #tpu.memory_space<vmem>>, vector<1x16xi32>,
      %swap3A_240 = vector.shape_cast %swap3A_239 : vector<1x16xi32> to vector<16xi32>
      %swap3A_241 = vector.shape_cast %add3A_234 : vector<16xi32> to vector<1x16xi32>
      tpu.vector_store %arg9[%swap3A_237, %swap3A_238], %swap3A_241 {strides = array<i32>} : memref<2x128xi32, #tpu.memory_space<vmem>>, vector<1x16xi32>,
    }
    %scan3A_96 = arith.constant 8 : i32
    %add3A_97 = arith.constant 512 : i32
    %add3A_98 = arith.addi %mul3A_2, %add3A_97 : i32
    %dma_start3A_99 = arith.constant 0 : i32
    %dma_start3A_100 = arith.constant 0 : i32
    %dma_start3A_101 = tpu.memref_slice %arg7[%dma_start3A_99, %dma_start3A_100] : memref<3x256xi32, #tpu.memory_space<vmem>> -> memref<1x256xi32, #tpu.memory_space<vmem>>
    %dma_start3A_102 = tpu.memref_squeeze %dma_start3A_101 : memref<1x256xi32, #tpu.memory_space<vmem>> -> memref<256xi32, #tpu.memory_space<vmem>>
    %dma_start3A_103 = tpu.memref_slice %arg2[%add3A_98] : memref<524288xi32, #tpu.memory_space<hbm>> -> memref<256xi32, #tpu.memory_space<hbm>>
    %dma_start3A_104 = arith.constant 0 : i32
    %dma_start3A_105 = tpu.memref_slice %arg7[%dma_start3A_99, %dma_start3A_104] : memref<3x256xi32, #tpu.memory_space<vmem>> -> memref<1x256xi32, #tpu.memory_space<vmem>>
    %dma_start3A_106 = tpu.memref_squeeze %dma_start3A_105 : memref<1x256xi32, #tpu.memory_space<vmem>> -> memref<256xi32, #tpu.memory_space<vmem>>
    %dma_start3A_107 = tpu.memref_slice %arg2[%add3A_98] : memref<524288xi32, #tpu.memory_space<hbm>> -> memref<256xi32, #tpu.memory_space<hbm>>
    tpu.enqueue_dma source(%dma_start3A_107 : memref<256xi32, #tpu.memory_space<hbm>>) target(%dma_start3A_106 : memref<256xi32, #tpu.memory_space<vmem>>) target_semaphore(%arg13 : memref<!tpu.dma_semaphore, #tpu.memory_space<semaphore_mem>>)
    %dma_start3A_108 = arith.constant 1 : i32
    %dma_start3A_109 = arith.constant 0 : i32
    %dma_start3A_110 = tpu.memref_slice %arg7[%dma_start3A_108, %dma_start3A_109] : memref<3x256xi32, #tpu.memory_space<vmem>> -> memref<1x256xi32, #tpu.memory_space<vmem>>
    %dma_start3A_111 = tpu.memref_squeeze %dma_start3A_110 : memref<1x256xi32, #tpu.memory_space<vmem>> -> memref<256xi32, #tpu.memory_space<vmem>>
    %dma_start3A_112 = tpu.memref_slice %arg3[%add3A_98] : memref<524288xi32, #tpu.memory_space<hbm>> -> memref<256xi32, #tpu.memory_space<hbm>>
    %dma_start3A_113 = arith.constant 0 : i32
    %dma_start3A_114 = tpu.memref_slice %arg7[%dma_start3A_108, %dma_start3A_113] : memref<3x256xi32, #tpu.memory_space<vmem>> -> memref<1x256xi32, #tpu.memory_space<vmem>>
    %dma_start3A_115 = tpu.memref_squeeze %dma_start3A_114 : memref<1x256xi32, #tpu.memory_space<vmem>> -> memref<256xi32, #tpu.memory_space<vmem>>
    %dma_start3A_116 = tpu.memref_slice %arg3[%add3A_98] : memref<524288xi32, #tpu.memory_space<hbm>> -> memref<256xi32, #tpu.memory_space<hbm>>
    tpu.enqueue_dma source(%dma_start3A_116 : memref<256xi32, #tpu.memory_space<hbm>>) target(%dma_start3A_115 : memref<256xi32, #tpu.memory_space<vmem>>) target_semaphore(%arg13 : memref<!tpu.dma_semaphore, #tpu.memory_space<semaphore_mem>>)
    %dma_start3A_117 = arith.constant 2 : i32
    %dma_start3A_118 = arith.constant 0 : i32
    %dma_start3A_119 = tpu.memref_slice %arg7[%dma_start3A_117, %dma_start3A_118] : memref<3x256xi32, #tpu.memory_space<vmem>> -> memref<1x256xi32, #tpu.memory_space<vmem>>
    %dma_start3A_120 = tpu.memref_squeeze %dma_start3A_119 : memref<1x256xi32, #tpu.memory_space<vmem>> -> memref<256xi32, #tpu.memory_space<vmem>>
    %dma_start3A_121 = tpu.memref_slice %arg4[%add3A_98] : memref<524288xi32, #tpu.memory_space<hbm>> -> memref<256xi32, #tpu.memory_space<hbm>>
    %dma_start3A_122 = arith.constant 0 : i32
    %dma_start3A_123 = tpu.memref_slice %arg7[%dma_start3A_117, %dma_start3A_122] : memref<3x256xi32, #tpu.memory_space<vmem>> -> memref<1x256xi32, #tpu.memory_space<vmem>>
    %dma_start3A_124 = tpu.memref_squeeze %dma_start3A_123 : memref<1x256xi32, #tpu.memory_space<vmem>> -> memref<256xi32, #tpu.memory_space<vmem>>
    %dma_start3A_125 = tpu.memref_slice %arg4[%add3A_98] : memref<524288xi32, #tpu.memory_space<hbm>> -> memref<256xi32, #tpu.memory_space<hbm>>
    tpu.enqueue_dma source(%dma_start3A_125 : memref<256xi32, #tpu.memory_space<hbm>>) target(%dma_start3A_124 : memref<256xi32, #tpu.memory_space<vmem>>) target_semaphore(%arg13 : memref<!tpu.dma_semaphore, #tpu.memory_space<semaphore_mem>>)
    %dma_start3A_126 = arith.constant 0 : i32
    %dma_start3A_127 = arith.constant 0 : i32
    %dma_start3A_128 = arith.constant 0 : i32
    %dma_start3A_129 = tpu.memref_slice %arg11[%dma_start3A_127, %dma_start3A_128] : memref<256x128xf32, #tpu.memory_space<vmem>> -> memref<128x128xf32, #tpu.memory_space<vmem>>
    %dma_start3A_130 = arith.constant 0 : i32
    %dma_start3A_131 = tpu.memref_slice %arg9[%dma_start3A_126, %dma_start3A_130] : memref<2x128xi32, #tpu.memory_space<vmem>> -> memref<1x128xi32, #tpu.memory_space<vmem>>
    %dma_start3A_132 = tpu.memref_squeeze %dma_start3A_131 : memref<1x128xi32, #tpu.memory_space<vmem>> -> memref<128xi32, #tpu.memory_space<vmem>>
    %dma_start3A_133 = arith.constant 0 : i32
    %dma_start3A_134 = arith.constant 0 : i32
    %dma_start3A_135 = tpu.memref_slice %arg5[%dma_start3A_133, %dma_start3A_134] : memref<274632x128xf32, #tpu.memory_space<hbm>> -> memref<274632x128xf32, #tpu.memory_space<hbm>>
    tpu.enqueue_indirect_dma source(%dma_start3A_135 : memref<274632x128xf32, #tpu.memory_space<hbm>>) target(%dma_start3A_129 : memref<128x128xf32, #tpu.memory_space<vmem>>) offsets(%dma_start3A_132 : memref<128xi32, #tpu.memory_space<vmem>>) semaphore(%arg15 : memref<!tpu.dma_semaphore, #tpu.memory_space<semaphore_mem>>)
    %dma_start3A_136 = arith.constant 1 : i32
    %dma_start3A_137 = arith.constant 128 : i32
    %dma_start3A_138 = arith.constant 0 : i32
    %dma_start3A_139 = tpu.memref_slice %arg11[%dma_start3A_137, %dma_start3A_138] : memref<256x128xf32, #tpu.memory_space<vmem>> -> memref<128x128xf32, #tpu.memory_space<vmem>>
    %dma_start3A_140 = arith.constant 0 : i32
    %dma_start3A_141 = tpu.memref_slice %arg9[%dma_start3A_136, %dma_start3A_140] : memref<2x128xi32, #tpu.memory_space<vmem>> -> memref<1x128xi32, #tpu.memory_space<vmem>>
    %dma_start3A_142 = tpu.memref_squeeze %dma_start3A_141 : memref<1x128xi32, #tpu.memory_space<vmem>> -> memref<128xi32, #tpu.memory_space<vmem>>
    %dma_start3A_143 = arith.constant 0 : i32
    %dma_start3A_144 = arith.constant 0 : i32
    %dma_start3A_145 = tpu.memref_slice %arg5[%dma_start3A_143, %dma_start3A_144] : memref<274632x128xf32, #tpu.memory_space<hbm>> -> memref<274632x128xf32, #tpu.memory_space<hbm>>
    tpu.enqueue_indirect_dma source(%dma_start3A_145 : memref<274632x128xf32, #tpu.memory_space<hbm>>) target(%dma_start3A_139 : memref<128x128xf32, #tpu.memory_space<vmem>>) offsets(%dma_start3A_142 : memref<128xi32, #tpu.memory_space<vmem>>) semaphore(%arg15 : memref<!tpu.dma_semaphore, #tpu.memory_space<semaphore_mem>>)
    %scan3A_146 = arith.constant 0 : i32
    %scan3A_147 = arith.constant 63 : i32
    %scan3A_148 = arith.addi %scan3A_146, %scan3A_147 : i32
    %scan3A_149 = arith.constant 1 : i32
    scf.for %scan3A_189 = %scan3A_146 to %scan3A_148 step %scan3A_149  : i32 {
      %mul3A_190 = arith.constant 1 : i32
      %mul3A_191 = arith.muli %scan3A_189, %mul3A_190 : i32
      %add3A_192 = arith.constant 1 : i32
      %add3A_193 = arith.addi %add3A_192, %mul3A_191 : i32
      %jit3A = arith.constant 2 : i32
      %eq3A = arith.constant 0 : i32
      %eq3A_194 = arith.cmpi eq, %jit3A, %eq3A : i32
      %jit3A_195 = arith.constant 1 : i32
      %select_n3A = arith.select %eq3A_194, %jit3A_195, %jit3A : i32
      %rem3A = arith.remsi %add3A_193, %select_n3A : i32
      %ne3A = arith.constant 0 : i32
      %ne3A_196 = arith.cmpi ne, %rem3A, %ne3A : i32
      %lt3A = arith.constant 0 : i32
      %lt3A_197 = arith.cmpi slt, %rem3A, %lt3A : i32
      %lt3A_198 = arith.constant 0 : i32
      %lt3A_199 = arith.cmpi slt, %select_n3A, %lt3A_198 : i32
      %ne3A_200 = arith.xori %lt3A_197, %lt3A_199 : i1
      %and3A = arith.andi %ne3A_200, %ne3A_196 : i1
      %add3A_201 = arith.addi %rem3A, %select_n3A : i32
      %select_n3A_202 = arith.select %and3A, %add3A_201, %rem3A : i32
      %eq3A_203 = arith.constant 0 : i32
      %eq3A_204 = arith.cmpi eq, %select_n3A_202, %eq3A_203 : i32
      %convert_element_type3A = arith.extui %eq3A_204 : i1 to i32
      %cond3A = arith.constant 0 : i32
      %cond3A_205 = arith.cmpi ne, %convert_element_type3A, %cond3A : i32
      scf.if %cond3A_205 {
        %mul3A_211 = arith.constant 256 : i32
        %mul3A_212 = arith.muli %add3A_193, %mul3A_211 : i32
        %add3A_213 = arith.addi %mul3A_2, %mul3A_212 : i32
        %dma_wait3A_214 = arith.constant 0 : i32
        %dma_wait3A_215 = arith.constant 0 : i32
        %dma_wait3A_216 = tpu.memref_slice %arg7[%dma_wait3A_214, %dma_wait3A_215] : memref<3x256xi32, #tpu.memory_space<vmem>> -> memref<1x256xi32, #tpu.memory_space<vmem>>
        %dma_wait3A_217 = tpu.memref_squeeze %dma_wait3A_216 : memref<1x256xi32, #tpu.memory_space<vmem>> -> memref<256xi32, #tpu.memory_space<vmem>>
        %dma_wait3A_218 = tpu.memref_slice %arg2[%add3A_213] : memref<524288xi32, #tpu.memory_space<hbm>> -> memref<256xi32, #tpu.memory_space<hbm>>
        %dma_wait3A_219 = arith.constant 0 : i32
        %dma_wait3A_220 = tpu.memref_slice %arg7[%dma_wait3A_214, %dma_wait3A_219] : memref<3x256xi32, #tpu.memory_space<vmem>> -> memref<1x256xi32, #tpu.memory_space<vmem>>
        %dma_wait3A_221 = tpu.memref_squeeze %dma_wait3A_220 : memref<1x256xi32, #tpu.memory_space<vmem>> -> memref<256xi32, #tpu.memory_space<vmem>>
        %dma_wait3A_222 = tpu.memref_slice %arg2[%add3A_213] : memref<524288xi32, #tpu.memory_space<hbm>> -> memref<256xi32, #tpu.memory_space<hbm>>
        tpu.wait_dma2 semaphore(%arg13 : memref<!tpu.dma_semaphore, #tpu.memory_space<semaphore_mem>>) src(%dma_wait3A_222 : memref<256xi32, #tpu.memory_space<hbm>>) dst(%dma_wait3A_221 : memref<256xi32, #tpu.memory_space<vmem>>)
        %dma_wait3A_223 = arith.constant 1 : i32
        %dma_wait3A_224 = arith.constant 0 : i32
        %dma_wait3A_225 = tpu.memref_slice %arg7[%dma_wait3A_223, %dma_wait3A_224] : memref<3x256xi32, #tpu.memory_space<vmem>> -> memref<1x256xi32, #tpu.memory_space<vmem>>
        %dma_wait3A_226 = tpu.memref_squeeze %dma_wait3A_225 : memref<1x256xi32, #tpu.memory_space<vmem>> -> memref<256xi32, #tpu.memory_space<vmem>>
        %dma_wait3A_227 = tpu.memref_slice %arg3[%add3A_213] : memref<524288xi32, #tpu.memory_space<hbm>> -> memref<256xi32, #tpu.memory_space<hbm>>
        %dma_wait3A_228 = arith.constant 0 : i32
        %dma_wait3A_229 = tpu.memref_slice %arg7[%dma_wait3A_223, %dma_wait3A_228] : memref<3x256xi32, #tpu.memory_space<vmem>> -> memref<1x256xi32, #tpu.memory_space<vmem>>
        %dma_wait3A_230 = tpu.memref_squeeze %dma_wait3A_229 : memref<1x256xi32, #tpu.memory_space<vmem>> -> memref<256xi32, #tpu.memory_space<vmem>>
        %dma_wait3A_231 = tpu.memref_slice %arg3[%add3A_213] : memref<524288xi32, #tpu.memory_space<hbm>> -> memref<256xi32, #tpu.memory_space<hbm>>
        tpu.wait_dma2 semaphore(%arg13 : memref<!tpu.dma_semaphore, #tpu.memory_space<semaphore_mem>>) src(%dma_wait3A_231 : memref<256xi32, #tpu.memory_space<hbm>>) dst(%dma_wait3A_230 : memref<256xi32, #tpu.memory_space<vmem>>)
        %dma_wait3A_232 = arith.constant 2 : i32
        %dma_wait3A_233 = arith.constant 0 : i32
        %dma_wait3A_234 = tpu.memref_slice %arg7[%dma_wait3A_232, %dma_wait3A_233] : memref<3x256xi32, #tpu.memory_space<vmem>> -> memref<1x256xi32, #tpu.memory_space<vmem>>
        %dma_wait3A_235 = tpu.memref_squeeze %dma_wait3A_234 : memref<1x256xi32, #tpu.memory_space<vmem>> -> memref<256xi32, #tpu.memory_space<vmem>>
        %dma_wait3A_236 = tpu.memref_slice %arg4[%add3A_213] : memref<524288xi32, #tpu.memory_space<hbm>> -> memref<256xi32, #tpu.memory_space<hbm>>
        %dma_wait3A_237 = arith.constant 0 : i32
        %dma_wait3A_238 = tpu.memref_slice %arg7[%dma_wait3A_232, %dma_wait3A_237] : memref<3x256xi32, #tpu.memory_space<vmem>> -> memref<1x256xi32, #tpu.memory_space<vmem>>
        %dma_wait3A_239 = tpu.memref_squeeze %dma_wait3A_238 : memref<1x256xi32, #tpu.memory_space<vmem>> -> memref<256xi32, #tpu.memory_space<vmem>>
        %dma_wait3A_240 = tpu.memref_slice %arg4[%add3A_213] : memref<524288xi32, #tpu.memory_space<hbm>> -> memref<256xi32, #tpu.memory_space<hbm>>
        tpu.wait_dma2 semaphore(%arg13 : memref<!tpu.dma_semaphore, #tpu.memory_space<semaphore_mem>>) src(%dma_wait3A_240 : memref<256xi32, #tpu.memory_space<hbm>>) dst(%dma_wait3A_239 : memref<256xi32, #tpu.memory_space<vmem>>)
        %scan3A_241 = arith.constant 0 : i32
        %scan3A_242 = arith.constant 8 : i32
        %scan3A_243 = arith.addi %scan3A_241, %scan3A_242 : i32
        %scan3A_244 = arith.constant 1 : i32
        scf.for %scan3A_308 = %scan3A_241 to %scan3A_243 step %scan3A_244  : i32 {
          %mul3A_309 = arith.constant 1 : i32
          %mul3A_310 = arith.muli %scan3A_308, %mul3A_309 : i32
          %add3A_311 = arith.constant 0 : i32
          %add3A_312 = arith.addi %add3A_311, %mul3A_310 : i32
          %mul3A_313 = arith.constant 16 : i32
          %mul3A_314 = arith.muli %add3A_312, %mul3A_313 : i32
          %add3A_315 = arith.constant 0 : i32
          %add3A_316 = arith.addi %add3A_315, %mul3A_314 : i32
          %get3A = arith.constant 0 : i32
          %get3A_317 = arith.index_cast %get3A : i32 to index
          %get3A_318 = arith.index_cast %add3A_316 : i32 to index
          %get3A_319 = tpu.vector_load %arg7[%get3A_317, %get3A_318] {strides = array<i32>} : memref<3x256xi32, #tpu.memory_space<vmem>>, vector<1x16xi32>,
          %get3A_320 = vector.shape_cast %get3A_319 : vector<1x16xi32> to vector<16xi32>
          %jit3A_321 = arith.constant 0 : i32
          %jit3A_322 = arith.constant 64 : i32
          %max3A = vector.broadcast %jit3A_321 : i32 to vector<16xi32>
          %max3A_323 = arith.maxsi %max3A, %get3A_320 : vector<16xi32>
          %min3A = vector.broadcast %jit3A_322 : i32 to vector<16xi32>
          %min3A_324 = arith.minsi %min3A, %max3A_323 : vector<16xi32>
          %get3A_325 = arith.constant 1 : i32
          %get3A_326 = arith.index_cast %get3A_325 : i32 to index
          %get3A_327 = arith.index_cast %add3A_316 : i32 to index
          %get3A_328 = tpu.vector_load %arg7[%get3A_326, %get3A_327] {strides = array<i32>} : memref<3x256xi32, #tpu.memory_space<vmem>>, vector<1x16xi32>,
          %get3A_329 = vector.shape_cast %get3A_328 : vector<1x16xi32> to vector<16xi32>
          %jit3A_330 = arith.constant 0 : i32
          %jit3A_331 = arith.constant 64 : i32
          %max3A_332 = vector.broadcast %jit3A_330 : i32 to vector<16xi32>
          %max3A_333 = arith.maxsi %max3A_332, %get3A_329 : vector<16xi32>
          %min3A_334 = vector.broadcast %jit3A_331 : i32 to vector<16xi32>
          %min3A_335 = arith.minsi %min3A_334, %max3A_333 : vector<16xi32>
          %get3A_336 = arith.constant 2 : i32
          %get3A_337 = arith.index_cast %get3A_336 : i32 to index
          %get3A_338 = arith.index_cast %add3A_316 : i32 to index
          %get3A_339 = tpu.vector_load %arg7[%get3A_337, %get3A_338] {strides = array<i32>} : memref<3x256xi32, #tpu.memory_space<vmem>>, vector<1x16xi32>,
          %get3A_340 = vector.shape_cast %get3A_339 : vector<1x16xi32> to vector<16xi32>
          %jit3A_341 = arith.constant 0 : i32
          %jit3A_342 = arith.constant 64 : i32
          %max3A_343 = vector.broadcast %jit3A_341 : i32 to vector<16xi32>
          %max3A_344 = arith.maxsi %max3A_343, %get3A_340 : vector<16xi32>
          %min3A_345 = vector.broadcast %jit3A_342 : i32 to vector<16xi32>
          %min3A_346 = arith.minsi %min3A_345, %max3A_344 : vector<16xi32>
          %mul3A_347 = arith.constant 4225 : i32
          %mul3A_348 = vector.broadcast %mul3A_347 : i32 to vector<16xi32>
          %mul3A_349 = arith.muli %min3A_324, %mul3A_348 : vector<16xi32>
          %mul3A_350 = arith.constant 65 : i32
          %mul3A_351 = vector.broadcast %mul3A_350 : i32 to vector<16xi32>
          %mul3A_352 = arith.muli %min3A_335, %mul3A_351 : vector<16xi32>
          %add3A_353 = arith.addi %mul3A_349, %mul3A_352 : vector<16xi32>
          %add3A_354 = arith.addi %add3A_353, %min3A_346 : vector<16xi32>
          %mul3A_355 = arith.constant 16 : i32
          %mul3A_356 = arith.muli %add3A_312, %mul3A_355 : i32
          %swap3A = arith.constant 0 : i32
          %swap3A_357 = arith.index_cast %swap3A : i32 to index
          %swap3A_358 = arith.index_cast %mul3A_356 : i32 to index
          %swap3A_359 = tpu.vector_load %arg9[%swap3A_357, %swap3A_358] {strides = array<i32>} : memref<2x128xi32, #tpu.memory_space<vmem>>, vector<1x16xi32>,
          %swap3A_360 = vector.shape_cast %swap3A_359 : vector<1x16xi32> to vector<16xi32>
          %swap3A_361 = vector.shape_cast %add3A_354 : vector<16xi32> to vector<1x16xi32>
          tpu.vector_store %arg9[%swap3A_357, %swap3A_358], %swap3A_361 {strides = array<i32>} : memref<2x128xi32, #tpu.memory_space<vmem>>, vector<1x16xi32>,
        }
        %scan3A_245 = arith.constant 8 : i32
        %scan3A_246 = arith.constant 0 : i32
        %scan3A_247 = arith.constant 8 : i32
        %scan3A_248 = arith.addi %scan3A_246, %scan3A_247 : i32
        %scan3A_249 = arith.constant 1 : i32
        scf.for %scan3A_308 = %scan3A_246 to %scan3A_248 step %scan3A_249  : i32 {
          %mul3A_309 = arith.constant 1 : i32
          %mul3A_310 = arith.muli %scan3A_308, %mul3A_309 : i32
          %add3A_311 = arith.constant 0 : i32
          %add3A_312 = arith.addi %add3A_311, %mul3A_310 : i32
          %mul3A_313 = arith.constant 16 : i32
          %mul3A_314 = arith.muli %add3A_312, %mul3A_313 : i32
          %add3A_315 = arith.constant 128 : i32
          %add3A_316 = arith.addi %add3A_315, %mul3A_314 : i32
          %get3A = arith.constant 0 : i32
          %get3A_317 = arith.index_cast %get3A : i32 to index
          %get3A_318 = arith.index_cast %add3A_316 : i32 to index
          %get3A_319 = tpu.vector_load %arg7[%get3A_317, %get3A_318] {strides = array<i32>} : memref<3x256xi32, #tpu.memory_space<vmem>>, vector<1x16xi32>,
          %get3A_320 = vector.shape_cast %get3A_319 : vector<1x16xi32> to vector<16xi32>
          %jit3A_321 = arith.constant 0 : i32
          %jit3A_322 = arith.constant 64 : i32
          %max3A = vector.broadcast %jit3A_321 : i32 to vector<16xi32>
          %max3A_323 = arith.maxsi %max3A, %get3A_320 : vector<16xi32>
          %min3A = vector.broadcast %jit3A_322 : i32 to vector<16xi32>
          %min3A_324 = arith.minsi %min3A, %max3A_323 : vector<16xi32>
          %get3A_325 = arith.constant 1 : i32
          %get3A_326 = arith.index_cast %get3A_325 : i32 to index
          %get3A_327 = arith.index_cast %add3A_316 : i32 to index
          %get3A_328 = tpu.vector_load %arg7[%get3A_326, %get3A_327] {strides = array<i32>} : memref<3x256xi32, #tpu.memory_space<vmem>>, vector<1x16xi32>,
          %get3A_329 = vector.shape_cast %get3A_328 : vector<1x16xi32> to vector<16xi32>
          %jit3A_330 = arith.constant 0 : i32
          %jit3A_331 = arith.constant 64 : i32
          %max3A_332 = vector.broadcast %jit3A_330 : i32 to vector<16xi32>
          %max3A_333 = arith.maxsi %max3A_332, %get3A_329 : vector<16xi32>
          %min3A_334 = vector.broadcast %jit3A_331 : i32 to vector<16xi32>
          %min3A_335 = arith.minsi %min3A_334, %max3A_333 : vector<16xi32>
          %get3A_336 = arith.constant 2 : i32
          %get3A_337 = arith.index_cast %get3A_336 : i32 to index
          %get3A_338 = arith.index_cast %add3A_316 : i32 to index
          %get3A_339 = tpu.vector_load %arg7[%get3A_337, %get3A_338] {strides = array<i32>} : memref<3x256xi32, #tpu.memory_space<vmem>>, vector<1x16xi32>,
          %get3A_340 = vector.shape_cast %get3A_339 : vector<1x16xi32> to vector<16xi32>
          %jit3A_341 = arith.constant 0 : i32
          %jit3A_342 = arith.constant 64 : i32
          %max3A_343 = vector.broadcast %jit3A_341 : i32 to vector<16xi32>
          %max3A_344 = arith.maxsi %max3A_343, %get3A_340 : vector<16xi32>
          %min3A_345 = vector.broadcast %jit3A_342 : i32 to vector<16xi32>
          %min3A_346 = arith.minsi %min3A_345, %max3A_344 : vector<16xi32>
          %mul3A_347 = arith.constant 4225 : i32
          %mul3A_348 = vector.broadcast %mul3A_347 : i32 to vector<16xi32>
          %mul3A_349 = arith.muli %min3A_324, %mul3A_348 : vector<16xi32>
          %mul3A_350 = arith.constant 65 : i32
          %mul3A_351 = vector.broadcast %mul3A_350 : i32 to vector<16xi32>
          %mul3A_352 = arith.muli %min3A_335, %mul3A_351 : vector<16xi32>
          %add3A_353 = arith.addi %mul3A_349, %mul3A_352 : vector<16xi32>
          %add3A_354 = arith.addi %add3A_353, %min3A_346 : vector<16xi32>
          %mul3A_355 = arith.constant 16 : i32
          %mul3A_356 = arith.muli %add3A_312, %mul3A_355 : i32
          %swap3A = arith.constant 1 : i32
          %swap3A_357 = arith.index_cast %swap3A : i32 to index
          %swap3A_358 = arith.index_cast %mul3A_356 : i32 to index
          %swap3A_359 = tpu.vector_load %arg9[%swap3A_357, %swap3A_358] {strides = array<i32>} : memref<2x128xi32, #tpu.memory_space<vmem>>, vector<1x16xi32>,
          %swap3A_360 = vector.shape_cast %swap3A_359 : vector<1x16xi32> to vector<16xi32>
          %swap3A_361 = vector.shape_cast %add3A_354 : vector<16xi32> to vector<1x16xi32>
          tpu.vector_store %arg9[%swap3A_357, %swap3A_358], %swap3A_361 {strides = array<i32>} : memref<2x128xi32, #tpu.memory_space<vmem>>, vector<1x16xi32>,
        }
        %scan3A_250 = arith.constant 8 : i32
        %lt3A_251 = arith.constant 62 : i32
        %lt3A_252 = arith.cmpi slt, %add3A_193, %lt3A_251 : i32
        %convert_element_type3A_253 = arith.extui %lt3A_252 : i1 to i32
        %cond3A_254 = arith.constant 0 : i32
        %cond3A_255 = arith.cmpi ne, %convert_element_type3A_253, %cond3A_254 : i32
        scf.if %cond3A_255 {
          %add3A_308 = arith.constant 2 : i32
          %add3A_309 = arith.addi %add3A_193, %add3A_308 : i32
          %mul3A_310 = arith.constant 256 : i32
          %mul3A_311 = arith.muli %add3A_309, %mul3A_310 : i32
          %add3A_312 = arith.addi %mul3A_2, %mul3A_311 : i32
          %dma_start3A_313 = arith.constant 0 : i32
          %dma_start3A_314 = arith.constant 0 : i32
          %dma_start3A_315 = tpu.memref_slice %arg7[%dma_start3A_313, %dma_start3A_314] : memref<3x256xi32, #tpu.memory_space<vmem>> -> memref<1x256xi32, #tpu.memory_space<vmem>>
          %dma_start3A_316 = tpu.memref_squeeze %dma_start3A_315 : memref<1x256xi32, #tpu.memory_space<vmem>> -> memref<256xi32, #tpu.memory_space<vmem>>
          %dma_start3A_317 = tpu.memref_slice %arg2[%add3A_312] : memref<524288xi32, #tpu.memory_space<hbm>> -> memref<256xi32, #tpu.memory_space<hbm>>
          %dma_start3A_318 = arith.constant 0 : i32
          %dma_start3A_319 = tpu.memref_slice %arg7[%dma_start3A_313, %dma_start3A_318] : memref<3x256xi32, #tpu.memory_space<vmem>> -> memref<1x256xi32, #tpu.memory_space<vmem>>
          %dma_start3A_320 = tpu.memref_squeeze %dma_start3A_319 : memref<1x256xi32, #tpu.memory_space<vmem>> -> memref<256xi32, #tpu.memory_space<vmem>>
          %dma_start3A_321 = tpu.memref_slice %arg2[%add3A_312] : memref<524288xi32, #tpu.memory_space<hbm>> -> memref<256xi32, #tpu.memory_space<hbm>>
          tpu.enqueue_dma source(%dma_start3A_321 : memref<256xi32, #tpu.memory_space<hbm>>) target(%dma_start3A_320 : memref<256xi32, #tpu.memory_space<vmem>>) target_semaphore(%arg13 : memref<!tpu.dma_semaphore, #tpu.memory_space<semaphore_mem>>)
          %dma_start3A_322 = arith.constant 1 : i32
          %dma_start3A_323 = arith.constant 0 : i32
          %dma_start3A_324 = tpu.memref_slice %arg7[%dma_start3A_322, %dma_start3A_323] : memref<3x256xi32, #tpu.memory_space<vmem>> -> memref<1x256xi32, #tpu.memory_space<vmem>>
          %dma_start3A_325 = tpu.memref_squeeze %dma_start3A_324 : memref<1x256xi32, #tpu.memory_space<vmem>> -> memref<256xi32, #tpu.memory_space<vmem>>
          %dma_start3A_326 = tpu.memref_slice %arg3[%add3A_312] : memref<524288xi32, #tpu.memory_space<hbm>> -> memref<256xi32, #tpu.memory_space<hbm>>
          %dma_start3A_327 = arith.constant 0 : i32
          %dma_start3A_328 = tpu.memref_slice %arg7[%dma_start3A_322, %dma_start3A_327] : memref<3x256xi32, #tpu.memory_space<vmem>> -> memref<1x256xi32, #tpu.memory_space<vmem>>
          %dma_start3A_329 = tpu.memref_squeeze %dma_start3A_328 : memref<1x256xi32, #tpu.memory_space<vmem>> -> memref<256xi32, #tpu.memory_space<vmem>>
          %dma_start3A_330 = tpu.memref_slice %arg3[%add3A_312] : memref<524288xi32, #tpu.memory_space<hbm>> -> memref<256xi32, #tpu.memory_space<hbm>>
          tpu.enqueue_dma source(%dma_start3A_330 : memref<256xi32, #tpu.memory_space<hbm>>) target(%dma_start3A_329 : memref<256xi32, #tpu.memory_space<vmem>>) target_semaphore(%arg13 : memref<!tpu.dma_semaphore, #tpu.memory_space<semaphore_mem>>)
          %dma_start3A_331 = arith.constant 2 : i32
          %dma_start3A_332 = arith.constant 0 : i32
          %dma_start3A_333 = tpu.memref_slice %arg7[%dma_start3A_331, %dma_start3A_332] : memref<3x256xi32, #tpu.memory_space<vmem>> -> memref<1x256xi32, #tpu.memory_space<vmem>>
          %dma_start3A_334 = tpu.memref_squeeze %dma_start3A_333 : memref<1x256xi32, #tpu.memory_space<vmem>> -> memref<256xi32, #tpu.memory_space<vmem>>
          %dma_start3A_335 = tpu.memref_slice %arg4[%add3A_312] : memref<524288xi32, #tpu.memory_space<hbm>> -> memref<256xi32, #tpu.memory_space<hbm>>
          %dma_start3A_336 = arith.constant 0 : i32
          %dma_start3A_337 = tpu.memref_slice %arg7[%dma_start3A_331, %dma_start3A_336] : memref<3x256xi32, #tpu.memory_space<vmem>> -> memref<1x256xi32, #tpu.memory_space<vmem>>
          %dma_start3A_338 = tpu.memref_squeeze %dma_start3A_337 : memref<1x256xi32, #tpu.memory_space<vmem>> -> memref<256xi32, #tpu.memory_space<vmem>>
          %dma_start3A_339 = tpu.memref_slice %arg4[%add3A_312] : memref<524288xi32, #tpu.memory_space<hbm>> -> memref<256xi32, #tpu.memory_space<hbm>>
          tpu.enqueue_dma source(%dma_start3A_339 : memref<256xi32, #tpu.memory_space<hbm>>) target(%dma_start3A_338 : memref<256xi32, #tpu.memory_space<vmem>>) target_semaphore(%arg13 : memref<!tpu.dma_semaphore, #tpu.memory_space<semaphore_mem>>)
        } else {
        }
        %ge3A = arith.constant 2 : i32
        %ge3A_256 = arith.cmpi sge, %add3A_193, %ge3A : i32
        %convert_element_type3A_257 = arith.extui %ge3A_256 : i1 to i32
        %cond3A_258 = arith.constant 0 : i32
        %cond3A_259 = arith.cmpi ne, %convert_element_type3A_257, %cond3A_258 : i32
        scf.if %cond3A_259 {
          %mul3A_308 = arith.constant 256 : i32
          %mul3A_309 = arith.muli %add3A_193, %mul3A_308 : i32
          %add3A_310 = arith.addi %mul3A_2, %mul3A_309 : i32
          %dma_wait3A_311 = arith.constant 0 : i32
          %dma_wait3A_312 = tpu.memref_slice %arg6[%add3A_310, %dma_wait3A_311] : memref<524288x128xf32, #tpu.memory_space<hbm>> -> memref<256x128xf32, #tpu.memory_space<hbm>>
          %dma_wait3A_313 = arith.constant 0 : i32
          %dma_wait3A_314 = tpu.memref_slice %arg6[%add3A_310, %dma_wait3A_313] : memref<524288x128xf32, #tpu.memory_space<hbm>> -> memref<256x128xf32, #tpu.memory_space<hbm>>
          tpu.wait_dma2 semaphore(%arg17 : memref<!tpu.dma_semaphore, #tpu.memory_space<semaphore_mem>>) src(%arg11 : memref<256x128xf32, #tpu.memory_space<vmem>>) dst(%dma_wait3A_314 : memref<256x128xf32, #tpu.memory_space<hbm>>)
        } else {
        }
        %dma_start3A_260 = arith.constant 0 : i32
        %dma_start3A_261 = arith.constant 0 : i32
        %dma_start3A_262 = arith.constant 0 : i32
        %dma_start3A_263 = tpu.memref_slice %arg11[%dma_start3A_261, %dma_start3A_262] : memref<256x128xf32, #tpu.memory_space<vmem>> -> memref<128x128xf32, #tpu.memory_space<vmem>>
        %dma_start3A_264 = arith.constant 0 : i32
        %dma_start3A_265 = tpu.memref_slice %arg9[%dma_start3A_260, %dma_start3A_264] : memref<2x128xi32, #tpu.memory_space<vmem>> -> memref<1x128xi32, #tpu.memory_space<vmem>>
        %dma_start3A_266 = tpu.memref_squeeze %dma_start3A_265 : memref<1x128xi32, #tpu.memory_space<vmem>> -> memref<128xi32, #tpu.memory_space<vmem>>
        %dma_start3A_267 = arith.constant 0 : i32
        %dma_start3A_268 = arith.constant 0 : i32
        %dma_start3A_269 = tpu.memref_slice %arg5[%dma_start3A_267, %dma_start3A_268] : memref<274632x128xf32, #tpu.memory_space<hbm>> -> memref<274632x128xf32, #tpu.memory_space<hbm>>
        tpu.enqueue_indirect_dma source(%dma_start3A_269 : memref<274632x128xf32, #tpu.memory_space<hbm>>) target(%dma_start3A_263 : memref<128x128xf32, #tpu.memory_space<vmem>>) offsets(%dma_start3A_266 : memref<128xi32, #tpu.memory_space<vmem>>) semaphore(%arg15 : memref<!tpu.dma_semaphore, #tpu.memory_space<semaphore_mem>>)
        %dma_start3A_270 = arith.constant 1 : i32
        %dma_start3A_271 = arith.constant 128 : i32
        %dma_start3A_272 = arith.constant 0 : i32
        %dma_start3A_273 = tpu.memref_slice %arg11[%dma_start3A_271, %dma_start3A_272] : memref<256x128xf32, #tpu.memory_space<vmem>> -> memref<128x128xf32, #tpu.memory_space<vmem>>
        %dma_start3A_274 = arith.constant 0 : i32
        %dma_start3A_275 = tpu.memref_slice %arg9[%dma_start3A_270, %dma_start3A_274] : memref<2x128xi32, #tpu.memory_space<vmem>> -> memref<1x128xi32, #tpu.memory_space<vmem>>
        %dma_start3A_276 = tpu.memref_squeeze %dma_start3A_275 : memref<1x128xi32, #tpu.memory_space<vmem>> -> memref<128xi32, #tpu.memory_space<vmem>>
        %dma_start3A_277 = arith.constant 0 : i32
        %dma_start3A_278 = arith.constant 0 : i32
        %dma_start3A_279 = tpu.memref_slice %arg5[%dma_start3A_277, %dma_start3A_278] : memref<274632x128xf32, #tpu.memory_space<hbm>> -> memref<274632x128xf32, #tpu.memory_space<hbm>>
        tpu.enqueue_indirect_dma source(%dma_start3A_279 : memref<274632x128xf32, #tpu.memory_space<hbm>>) target(%dma_start3A_273 : memref<128x128xf32, #tpu.memory_space<vmem>>) offsets(%dma_start3A_276 : memref<128xi32, #tpu.memory_space<vmem>>) semaphore(%arg15 : memref<!tpu.dma_semaphore, #tpu.memory_space<semaphore_mem>>)
        %sub3A = arith.constant 1 : i32
        %sub3A_280 = arith.subi %add3A_193, %sub3A : i32
        %dma_wait3A_281 = arith.constant 0 : i32
        %dma_wait3A_282 = arith.constant 0 : i32
        %dma_wait3A_283 = arith.constant 0 : i32
        %dma_wait3A_284 = tpu.memref_slice %arg12[%dma_wait3A_282, %dma_wait3A_283] : memref<256x128xf32, #tpu.memory_space<vmem>> -> memref<128x128xf32, #tpu.memory_space<vmem>>
        %dma_wait3A_285 = arith.constant 0 : i32
        %dma_wait3A_286 = tpu.memref_slice %arg10[%dma_wait3A_281, %dma_wait3A_285] : memref<2x128xi32, #tpu.memory_space<vmem>> -> memref<1x128xi32, #tpu.memory_space<vmem>>
        %dma_wait3A_287 = tpu.memref_squeeze %dma_wait3A_286 : memref<1x128xi32, #tpu.memory_space<vmem>> -> memref<128xi32, #tpu.memory_space<vmem>>
        %dma_wait3A_288 = arith.constant 0 : i32
        %dma_wait3A_289 = arith.constant 0 : i32
        %dma_wait3A_290 = tpu.memref_slice %arg5[%dma_wait3A_288, %dma_wait3A_289] : memref<274632x128xf32, #tpu.memory_space<hbm>> -> memref<274632x128xf32, #tpu.memory_space<hbm>>
        tpu.wait_indirect_dma semaphore(%arg16 : memref<!tpu.dma_semaphore, #tpu.memory_space<semaphore_mem>>) src(%dma_wait3A_290 : memref<274632x128xf32, #tpu.memory_space<hbm>>) dst(%dma_wait3A_284 : memref<128x128xf32, #tpu.memory_space<vmem>>)
        %dma_wait3A_291 = arith.constant 1 : i32
        %dma_wait3A_292 = arith.constant 128 : i32
        %dma_wait3A_293 = arith.constant 0 : i32
        %dma_wait3A_294 = tpu.memref_slice %arg12[%dma_wait3A_292, %dma_wait3A_293] : memref<256x128xf32, #tpu.memory_space<vmem>> -> memref<128x128xf32, #tpu.memory_space<vmem>>
        %dma_wait3A_295 = arith.constant 0 : i32
        %dma_wait3A_296 = tpu.memref_slice %arg10[%dma_wait3A_291, %dma_wait3A_295] : memref<2x128xi32, #tpu.memory_space<vmem>> -> memref<1x128xi32, #tpu.memory_space<vmem>>
        %dma_wait3A_297 = tpu.memref_squeeze %dma_wait3A_296 : memref<1x128xi32, #tpu.memory_space<vmem>> -> memref<128xi32, #tpu.memory_space<vmem>>
        %dma_wait3A_298 = arith.constant 0 : i32
        %dma_wait3A_299 = arith.constant 0 : i32
        %dma_wait3A_300 = tpu.memref_slice %arg5[%dma_wait3A_298, %dma_wait3A_299] : memref<274632x128xf32, #tpu.memory_space<hbm>> -> memref<274632x128xf32, #tpu.memory_space<hbm>>
        tpu.wait_indirect_dma semaphore(%arg16 : memref<!tpu.dma_semaphore, #tpu.memory_space<semaphore_mem>>) src(%dma_wait3A_300 : memref<274632x128xf32, #tpu.memory_space<hbm>>) dst(%dma_wait3A_294 : memref<128x128xf32, #tpu.memory_space<vmem>>)
        %mul3A_301 = arith.constant 256 : i32
        %mul3A_302 = arith.muli %sub3A_280, %mul3A_301 : i32
        %add3A_303 = arith.addi %mul3A_2, %mul3A_302 : i32
        %dma_start3A_304 = arith.constant 0 : i32
        %dma_start3A_305 = tpu.memref_slice %arg6[%add3A_303, %dma_start3A_304] : memref<524288x128xf32, #tpu.memory_space<hbm>> -> memref<256x128xf32, #tpu.memory_space<hbm>>
        %dma_start3A_306 = arith.constant 0 : i32
        %dma_start3A_307 = tpu.memref_slice %arg6[%add3A_303, %dma_start3A_306] : memref<524288x128xf32, #tpu.memory_space<hbm>> -> memref<256x128xf32, #tpu.memory_space<hbm>>
        tpu.enqueue_dma source(%arg12 : memref<256x128xf32, #tpu.memory_space<vmem>>) target(%dma_start3A_307 : memref<256x128xf32, #tpu.memory_space<hbm>>) target_semaphore(%arg18 : memref<!tpu.dma_semaphore, #tpu.memory_space<semaphore_mem>>)
      } else {
      }
      %eq3A_206 = arith.constant 1 : i32
      %eq3A_207 = arith.cmpi eq, %select_n3A_202, %eq3A_206 : i32
      %convert_element_type3A_208 = arith.extui %eq3A_207 : i1 to i32
      %cond3A_209 = arith.constant 0 : i32
      %cond3A_210 = arith.cmpi ne, %convert_element_type3A_208, %cond3A_209 : i32
      scf.if %cond3A_210 {
        %mul3A_211 = arith.constant 256 : i32
        %mul3A_212 = arith.muli %add3A_193, %mul3A_211 : i32
        %add3A_213 = arith.addi %mul3A_2, %mul3A_212 : i32
        %dma_wait3A_214 = arith.constant 0 : i32
        %dma_wait3A_215 = arith.constant 0 : i32
        %dma_wait3A_216 = tpu.memref_slice %arg8[%dma_wait3A_214, %dma_wait3A_215] : memref<3x256xi32, #tpu.memory_space<vmem>> -> memref<1x256xi32, #tpu.memory_space<vmem>>
        %dma_wait3A_217 = tpu.memref_squeeze %dma_wait3A_216 : memref<1x256xi32, #tpu.memory_space<vmem>> -> memref<256xi32, #tpu.memory_space<vmem>>
        %dma_wait3A_218 = tpu.memref_slice %arg2[%add3A_213] : memref<524288xi32, #tpu.memory_space<hbm>> -> memref<256xi32, #tpu.memory_space<hbm>>
        %dma_wait3A_219 = arith.constant 0 : i32
        %dma_wait3A_220 = tpu.memref_slice %arg8[%dma_wait3A_214, %dma_wait3A_219] : memref<3x256xi32, #tpu.memory_space<vmem>> -> memref<1x256xi32, #tpu.memory_space<vmem>>
        %dma_wait3A_221 = tpu.memref_squeeze %dma_wait3A_220 : memref<1x256xi32, #tpu.memory_space<vmem>> -> memref<256xi32, #tpu.memory_space<vmem>>
        %dma_wait3A_222 = tpu.memref_slice %arg2[%add3A_213] : memref<524288xi32, #tpu.memory_space<hbm>> -> memref<256xi32, #tpu.memory_space<hbm>>
        tpu.wait_dma2 semaphore(%arg14 : memref<!tpu.dma_semaphore, #tpu.memory_space<semaphore_mem>>) src(%dma_wait3A_222 : memref<256xi32, #tpu.memory_space<hbm>>) dst(%dma_wait3A_221 : memref<256xi32, #tpu.memory_space<vmem>>)
        %dma_wait3A_223 = arith.constant 1 : i32
        %dma_wait3A_224 = arith.constant 0 : i32
        %dma_wait3A_225 = tpu.memref_slice %arg8[%dma_wait3A_223, %dma_wait3A_224] : memref<3x256xi32, #tpu.memory_space<vmem>> -> memref<1x256xi32, #tpu.memory_space<vmem>>
        %dma_wait3A_226 = tpu.memref_squeeze %dma_wait3A_225 : memref<1x256xi32, #tpu.memory_space<vmem>> -> memref<256xi32, #tpu.memory_space<vmem>>
        %dma_wait3A_227 = tpu.memref_slice %arg3[%add3A_213] : memref<524288xi32, #tpu.memory_space<hbm>> -> memref<256xi32, #tpu.memory_space<hbm>>
        %dma_wait3A_228 = arith.constant 0 : i32
        %dma_wait3A_229 = tpu.memref_slice %arg8[%dma_wait3A_223, %dma_wait3A_228] : memref<3x256xi32, #tpu.memory_space<vmem>> -> memref<1x256xi32, #tpu.memory_space<vmem>>
        %dma_wait3A_230 = tpu.memref_squeeze %dma_wait3A_229 : memref<1x256xi32, #tpu.memory_space<vmem>> -> memref<256xi32, #tpu.memory_space<vmem>>
        %dma_wait3A_231 = tpu.memref_slice %arg3[%add3A_213] : memref<524288xi32, #tpu.memory_space<hbm>> -> memref<256xi32, #tpu.memory_space<hbm>>
        tpu.wait_dma2 semaphore(%arg14 : memref<!tpu.dma_semaphore, #tpu.memory_space<semaphore_mem>>) src(%dma_wait3A_231 : memref<256xi32, #tpu.memory_space<hbm>>) dst(%dma_wait3A_230 : memref<256xi32, #tpu.memory_space<vmem>>)
        %dma_wait3A_232 = arith.constant 2 : i32
        %dma_wait3A_233 = arith.constant 0 : i32
        %dma_wait3A_234 = tpu.memref_slice %arg8[%dma_wait3A_232, %dma_wait3A_233] : memref<3x256xi32, #tpu.memory_space<vmem>> -> memref<1x256xi32, #tpu.memory_space<vmem>>
        %dma_wait3A_235 = tpu.memref_squeeze %dma_wait3A_234 : memref<1x256xi32, #tpu.memory_space<vmem>> -> memref<256xi32, #tpu.memory_space<vmem>>
        %dma_wait3A_236 = tpu.memref_slice %arg4[%add3A_213] : memref<524288xi32, #tpu.memory_space<hbm>> -> memref<256xi32, #tpu.memory_space<hbm>>
        %dma_wait3A_237 = arith.constant 0 : i32
        %dma_wait3A_238 = tpu.memref_slice %arg8[%dma_wait3A_232, %dma_wait3A_237] : memref<3x256xi32, #tpu.memory_space<vmem>> -> memref<1x256xi32, #tpu.memory_space<vmem>>
        %dma_wait3A_239 = tpu.memref_squeeze %dma_wait3A_238 : memref<1x256xi32, #tpu.memory_space<vmem>> -> memref<256xi32, #tpu.memory_space<vmem>>
        %dma_wait3A_240 = tpu.memref_slice %arg4[%add3A_213] : memref<524288xi32, #tpu.memory_space<hbm>> -> memref<256xi32, #tpu.memory_space<hbm>>
        tpu.wait_dma2 semaphore(%arg14 : memref<!tpu.dma_semaphore, #tpu.memory_space<semaphore_mem>>) src(%dma_wait3A_240 : memref<256xi32, #tpu.memory_space<hbm>>) dst(%dma_wait3A_239 : memref<256xi32, #tpu.memory_space<vmem>>)
        %scan3A_241 = arith.constant 0 : i32
        %scan3A_242 = arith.constant 8 : i32
        %scan3A_243 = arith.addi %scan3A_241, %scan3A_242 : i32
        %scan3A_244 = arith.constant 1 : i32
        scf.for %scan3A_308 = %scan3A_241 to %scan3A_243 step %scan3A_244  : i32 {
          %mul3A_309 = arith.constant 1 : i32
          %mul3A_310 = arith.muli %scan3A_308, %mul3A_309 : i32
          %add3A_311 = arith.constant 0 : i32
          %add3A_312 = arith.addi %add3A_311, %mul3A_310 : i32
          %mul3A_313 = arith.constant 16 : i32
          %mul3A_314 = arith.muli %add3A_312, %mul3A_313 : i32
          %add3A_315 = arith.constant 0 : i32
          %add3A_316 = arith.addi %add3A_315, %mul3A_314 : i32
          %get3A = arith.constant 0 : i32
          %get3A_317 = arith.index_cast %get3A : i32 to index
          %get3A_318 = arith.index_cast %add3A_316 : i32 to index
          %get3A_319 = tpu.vector_load %arg8[%get3A_317, %get3A_318] {strides = array<i32>} : memref<3x256xi32, #tpu.memory_space<vmem>>, vector<1x16xi32>,
          %get3A_320 = vector.shape_cast %get3A_319 : vector<1x16xi32> to vector<16xi32>
          %jit3A_321 = arith.constant 0 : i32
          %jit3A_322 = arith.constant 64 : i32
          %max3A = vector.broadcast %jit3A_321 : i32 to vector<16xi32>
          %max3A_323 = arith.maxsi %max3A, %get3A_320 : vector<16xi32>
          %min3A = vector.broadcast %jit3A_322 : i32 to vector<16xi32>
          %min3A_324 = arith.minsi %min3A, %max3A_323 : vector<16xi32>
          %get3A_325 = arith.constant 1 : i32
          %get3A_326 = arith.index_cast %get3A_325 : i32 to index
          %get3A_327 = arith.index_cast %add3A_316 : i32 to index
          %get3A_328 = tpu.vector_load %arg8[%get3A_326, %get3A_327] {strides = array<i32>} : memref<3x256xi32, #tpu.memory_space<vmem>>, vector<1x16xi32>,
          %get3A_329 = vector.shape_cast %get3A_328 : vector<1x16xi32> to vector<16xi32>
          %jit3A_330 = arith.constant 0 : i32
          %jit3A_331 = arith.constant 64 : i32
          %max3A_332 = vector.broadcast %jit3A_330 : i32 to vector<16xi32>
          %max3A_333 = arith.maxsi %max3A_332, %get3A_329 : vector<16xi32>
          %min3A_334 = vector.broadcast %jit3A_331 : i32 to vector<16xi32>
          %min3A_335 = arith.minsi %min3A_334, %max3A_333 : vector<16xi32>
          %get3A_336 = arith.constant 2 : i32
          %get3A_337 = arith.index_cast %get3A_336 : i32 to index
          %get3A_338 = arith.index_cast %add3A_316 : i32 to index
          %get3A_339 = tpu.vector_load %arg8[%get3A_337, %get3A_338] {strides = array<i32>} : memref<3x256xi32, #tpu.memory_space<vmem>>, vector<1x16xi32>,
          %get3A_340 = vector.shape_cast %get3A_339 : vector<1x16xi32> to vector<16xi32>
          %jit3A_341 = arith.constant 0 : i32
          %jit3A_342 = arith.constant 64 : i32
          %max3A_343 = vector.broadcast %jit3A_341 : i32 to vector<16xi32>
          %max3A_344 = arith.maxsi %max3A_343, %get3A_340 : vector<16xi32>
          %min3A_345 = vector.broadcast %jit3A_342 : i32 to vector<16xi32>
          %min3A_346 = arith.minsi %min3A_345, %max3A_344 : vector<16xi32>
          %mul3A_347 = arith.constant 4225 : i32
          %mul3A_348 = vector.broadcast %mul3A_347 : i32 to vector<16xi32>
          %mul3A_349 = arith.muli %min3A_324, %mul3A_348 : vector<16xi32>
          %mul3A_350 = arith.constant 65 : i32
          %mul3A_351 = vector.broadcast %mul3A_350 : i32 to vector<16xi32>
          %mul3A_352 = arith.muli %min3A_335, %mul3A_351 : vector<16xi32>
          %add3A_353 = arith.addi %mul3A_349, %mul3A_352 : vector<16xi32>
          %add3A_354 = arith.addi %add3A_353, %min3A_346 : vector<16xi32>
          %mul3A_355 = arith.constant 16 : i32
          %mul3A_356 = arith.muli %add3A_312, %mul3A_355 : i32
          %swap3A = arith.constant 0 : i32
          %swap3A_357 = arith.index_cast %swap3A : i32 to index
          %swap3A_358 = arith.index_cast %mul3A_356 : i32 to index
          %swap3A_359 = tpu.vector_load %arg10[%swap3A_357, %swap3A_358] {strides = array<i32>} : memref<2x128xi32, #tpu.memory_space<vmem>>, vector<1x16xi32>,
          %swap3A_360 = vector.shape_cast %swap3A_359 : vector<1x16xi32> to vector<16xi32>
          %swap3A_361 = vector.shape_cast %add3A_354 : vector<16xi32> to vector<1x16xi32>
          tpu.vector_store %arg10[%swap3A_357, %swap3A_358], %swap3A_361 {strides = array<i32>} : memref<2x128xi32, #tpu.memory_space<vmem>>, vector<1x16xi32>,
        }
        %scan3A_245 = arith.constant 8 : i32
        %scan3A_246 = arith.constant 0 : i32
        %scan3A_247 = arith.constant 8 : i32
        %scan3A_248 = arith.addi %scan3A_246, %scan3A_247 : i32
        %scan3A_249 = arith.constant 1 : i32
        scf.for %scan3A_308 = %scan3A_246 to %scan3A_248 step %scan3A_249  : i32 {
          %mul3A_309 = arith.constant 1 : i32
          %mul3A_310 = arith.muli %scan3A_308, %mul3A_309 : i32
          %add3A_311 = arith.constant 0 : i32
          %add3A_312 = arith.addi %add3A_311, %mul3A_310 : i32
          %mul3A_313 = arith.constant 16 : i32
          %mul3A_314 = arith.muli %add3A_312, %mul3A_313 : i32
          %add3A_315 = arith.constant 128 : i32
          %add3A_316 = arith.addi %add3A_315, %mul3A_314 : i32
          %get3A = arith.constant 0 : i32
          %get3A_317 = arith.index_cast %get3A : i32 to index
          %get3A_318 = arith.index_cast %add3A_316 : i32 to index
          %get3A_319 = tpu.vector_load %arg8[%get3A_317, %get3A_318] {strides = array<i32>} : memref<3x256xi32, #tpu.memory_space<vmem>>, vector<1x16xi32>,
          %get3A_320 = vector.shape_cast %get3A_319 : vector<1x16xi32> to vector<16xi32>
          %jit3A_321 = arith.constant 0 : i32
          %jit3A_322 = arith.constant 64 : i32
          %max3A = vector.broadcast %jit3A_321 : i32 to vector<16xi32>
          %max3A_323 = arith.maxsi %max3A, %get3A_320 : vector<16xi32>
          %min3A = vector.broadcast %jit3A_322 : i32 to vector<16xi32>
          %min3A_324 = arith.minsi %min3A, %max3A_323 : vector<16xi32>
          %get3A_325 = arith.constant 1 : i32
          %get3A_326 = arith.index_cast %get3A_325 : i32 to index
          %get3A_327 = arith.index_cast %add3A_316 : i32 to index
          %get3A_328 = tpu.vector_load %arg8[%get3A_326, %get3A_327] {strides = array<i32>} : memref<3x256xi32, #tpu.memory_space<vmem>>, vector<1x16xi32>,
          %get3A_329 = vector.shape_cast %get3A_328 : vector<1x16xi32> to vector<16xi32>
          %jit3A_330 = arith.constant 0 : i32
          %jit3A_331 = arith.constant 64 : i32
          %max3A_332 = vector.broadcast %jit3A_330 : i32 to vector<16xi32>
          %max3A_333 = arith.maxsi %max3A_332, %get3A_329 : vector<16xi32>
          %min3A_334 = vector.broadcast %jit3A_331 : i32 to vector<16xi32>
          %min3A_335 = arith.minsi %min3A_334, %max3A_333 : vector<16xi32>
          %get3A_336 = arith.constant 2 : i32
          %get3A_337 = arith.index_cast %get3A_336 : i32 to index
          %get3A_338 = arith.index_cast %add3A_316 : i32 to index
          %get3A_339 = tpu.vector_load %arg8[%get3A_337, %get3A_338] {strides = array<i32>} : memref<3x256xi32, #tpu.memory_space<vmem>>, vector<1x16xi32>,
          %get3A_340 = vector.shape_cast %get3A_339 : vector<1x16xi32> to vector<16xi32>
          %jit3A_341 = arith.constant 0 : i32
          %jit3A_342 = arith.constant 64 : i32
          %max3A_343 = vector.broadcast %jit3A_341 : i32 to vector<16xi32>
          %max3A_344 = arith.maxsi %max3A_343, %get3A_340 : vector<16xi32>
          %min3A_345 = vector.broadcast %jit3A_342 : i32 to vector<16xi32>
          %min3A_346 = arith.minsi %min3A_345, %max3A_344 : vector<16xi32>
          %mul3A_347 = arith.constant 4225 : i32
          %mul3A_348 = vector.broadcast %mul3A_347 : i32 to vector<16xi32>
          %mul3A_349 = arith.muli %min3A_324, %mul3A_348 : vector<16xi32>
          %mul3A_350 = arith.constant 65 : i32
          %mul3A_351 = vector.broadcast %mul3A_350 : i32 to vector<16xi32>
          %mul3A_352 = arith.muli %min3A_335, %mul3A_351 : vector<16xi32>
          %add3A_353 = arith.addi %mul3A_349, %mul3A_352 : vector<16xi32>
          %add3A_354 = arith.addi %add3A_353, %min3A_346 : vector<16xi32>
          %mul3A_355 = arith.constant 16 : i32
          %mul3A_356 = arith.muli %add3A_312, %mul3A_355 : i32
          %swap3A = arith.constant 1 : i32
          %swap3A_357 = arith.index_cast %swap3A : i32 to index
          %swap3A_358 = arith.index_cast %mul3A_356 : i32 to index
          %swap3A_359 = tpu.vector_load %arg10[%swap3A_357, %swap3A_358] {strides = array<i32>} : memref<2x128xi32, #tpu.memory_space<vmem>>, vector<1x16xi32>,
          %swap3A_360 = vector.shape_cast %swap3A_359 : vector<1x16xi32> to vector<16xi32>
          %swap3A_361 = vector.shape_cast %add3A_354 : vector<16xi32> to vector<1x16xi32>
          tpu.vector_store %arg10[%swap3A_357, %swap3A_358], %swap3A_361 {strides = array<i32>} : memref<2x128xi32, #tpu.memory_space<vmem>>, vector<1x16xi32>,
        }
        %scan3A_250 = arith.constant 8 : i32
        %lt3A_251 = arith.constant 62 : i32
        %lt3A_252 = arith.cmpi slt, %add3A_193, %lt3A_251 : i32
        %convert_element_type3A_253 = arith.extui %lt3A_252 : i1 to i32
        %cond3A_254 = arith.constant 0 : i32
        %cond3A_255 = arith.cmpi ne, %convert_element_type3A_253, %cond3A_254 : i32
        scf.if %cond3A_255 {
          %add3A_308 = arith.constant 2 : i32
          %add3A_309 = arith.addi %add3A_193, %add3A_308 : i32
          %mul3A_310 = arith.constant 256 : i32
          %mul3A_311 = arith.muli %add3A_309, %mul3A_310 : i32
          %add3A_312 = arith.addi %mul3A_2, %mul3A_311 : i32
          %dma_start3A_313 = arith.constant 0 : i32
          %dma_start3A_314 = arith.constant 0 : i32
          %dma_start3A_315 = tpu.memref_slice %arg8[%dma_start3A_313, %dma_start3A_314] : memref<3x256xi32, #tpu.memory_space<vmem>> -> memref<1x256xi32, #tpu.memory_space<vmem>>
          %dma_start3A_316 = tpu.memref_squeeze %dma_start3A_315 : memref<1x256xi32, #tpu.memory_space<vmem>> -> memref<256xi32, #tpu.memory_space<vmem>>
          %dma_start3A_317 = tpu.memref_slice %arg2[%add3A_312] : memref<524288xi32, #tpu.memory_space<hbm>> -> memref<256xi32, #tpu.memory_space<hbm>>
          %dma_start3A_318 = arith.constant 0 : i32
          %dma_start3A_319 = tpu.memref_slice %arg8[%dma_start3A_313, %dma_start3A_318] : memref<3x256xi32, #tpu.memory_space<vmem>> -> memref<1x256xi32, #tpu.memory_space<vmem>>
          %dma_start3A_320 = tpu.memref_squeeze %dma_start3A_319 : memref<1x256xi32, #tpu.memory_space<vmem>> -> memref<256xi32, #tpu.memory_space<vmem>>
          %dma_start3A_321 = tpu.memref_slice %arg2[%add3A_312] : memref<524288xi32, #tpu.memory_space<hbm>> -> memref<256xi32, #tpu.memory_space<hbm>>
          tpu.enqueue_dma source(%dma_start3A_321 : memref<256xi32, #tpu.memory_space<hbm>>) target(%dma_start3A_320 : memref<256xi32, #tpu.memory_space<vmem>>) target_semaphore(%arg14 : memref<!tpu.dma_semaphore, #tpu.memory_space<semaphore_mem>>)
          %dma_start3A_322 = arith.constant 1 : i32
          %dma_start3A_323 = arith.constant 0 : i32
          %dma_start3A_324 = tpu.memref_slice %arg8[%dma_start3A_322, %dma_start3A_323] : memref<3x256xi32, #tpu.memory_space<vmem>> -> memref<1x256xi32, #tpu.memory_space<vmem>>
          %dma_start3A_325 = tpu.memref_squeeze %dma_start3A_324 : memref<1x256xi32, #tpu.memory_space<vmem>> -> memref<256xi32, #tpu.memory_space<vmem>>
          %dma_start3A_326 = tpu.memref_slice %arg3[%add3A_312] : memref<524288xi32, #tpu.memory_space<hbm>> -> memref<256xi32, #tpu.memory_space<hbm>>
          %dma_start3A_327 = arith.constant 0 : i32
          %dma_start3A_328 = tpu.memref_slice %arg8[%dma_start3A_322, %dma_start3A_327] : memref<3x256xi32, #tpu.memory_space<vmem>> -> memref<1x256xi32, #tpu.memory_space<vmem>>
          %dma_start3A_329 = tpu.memref_squeeze %dma_start3A_328 : memref<1x256xi32, #tpu.memory_space<vmem>> -> memref<256xi32, #tpu.memory_space<vmem>>
          %dma_start3A_330 = tpu.memref_slice %arg3[%add3A_312] : memref<524288xi32, #tpu.memory_space<hbm>> -> memref<256xi32, #tpu.memory_space<hbm>>
          tpu.enqueue_dma source(%dma_start3A_330 : memref<256xi32, #tpu.memory_space<hbm>>) target(%dma_start3A_329 : memref<256xi32, #tpu.memory_space<vmem>>) target_semaphore(%arg14 : memref<!tpu.dma_semaphore, #tpu.memory_space<semaphore_mem>>)
          %dma_start3A_331 = arith.constant 2 : i32
          %dma_start3A_332 = arith.constant 0 : i32
          %dma_start3A_333 = tpu.memref_slice %arg8[%dma_start3A_331, %dma_start3A_332] : memref<3x256xi32, #tpu.memory_space<vmem>> -> memref<1x256xi32, #tpu.memory_space<vmem>>
          %dma_start3A_334 = tpu.memref_squeeze %dma_start3A_333 : memref<1x256xi32, #tpu.memory_space<vmem>> -> memref<256xi32, #tpu.memory_space<vmem>>
          %dma_start3A_335 = tpu.memref_slice %arg4[%add3A_312] : memref<524288xi32, #tpu.memory_space<hbm>> -> memref<256xi32, #tpu.memory_space<hbm>>
          %dma_start3A_336 = arith.constant 0 : i32
          %dma_start3A_337 = tpu.memref_slice %arg8[%dma_start3A_331, %dma_start3A_336] : memref<3x256xi32, #tpu.memory_space<vmem>> -> memref<1x256xi32, #tpu.memory_space<vmem>>
          %dma_start3A_338 = tpu.memref_squeeze %dma_start3A_337 : memref<1x256xi32, #tpu.memory_space<vmem>> -> memref<256xi32, #tpu.memory_space<vmem>>
          %dma_start3A_339 = tpu.memref_slice %arg4[%add3A_312] : memref<524288xi32, #tpu.memory_space<hbm>> -> memref<256xi32, #tpu.memory_space<hbm>>
          tpu.enqueue_dma source(%dma_start3A_339 : memref<256xi32, #tpu.memory_space<hbm>>) target(%dma_start3A_338 : memref<256xi32, #tpu.memory_space<vmem>>) target_semaphore(%arg14 : memref<!tpu.dma_semaphore, #tpu.memory_space<semaphore_mem>>)
        } else {
        }
        %ge3A = arith.constant 2 : i32
        %ge3A_256 = arith.cmpi sge, %add3A_193, %ge3A : i32
        %convert_element_type3A_257 = arith.extui %ge3A_256 : i1 to i32
        %cond3A_258 = arith.constant 0 : i32
        %cond3A_259 = arith.cmpi ne, %convert_element_type3A_257, %cond3A_258 : i32
        scf.if %cond3A_259 {
          %mul3A_308 = arith.constant 256 : i32
          %mul3A_309 = arith.muli %add3A_193, %mul3A_308 : i32
          %add3A_310 = arith.addi %mul3A_2, %mul3A_309 : i32
          %dma_wait3A_311 = arith.constant 0 : i32
          %dma_wait3A_312 = tpu.memref_slice %arg6[%add3A_310, %dma_wait3A_311] : memref<524288x128xf32, #tpu.memory_space<hbm>> -> memref<256x128xf32, #tpu.memory_space<hbm>>
          %dma_wait3A_313 = arith.constant 0 : i32
          %dma_wait3A_314 = tpu.memref_slice %arg6[%add3A_310, %dma_wait3A_313] : memref<524288x128xf32, #tpu.memory_space<hbm>> -> memref<256x128xf32, #tpu.memory_space<hbm>>
          tpu.wait_dma2 semaphore(%arg18 : memref<!tpu.dma_semaphore, #tpu.memory_space<semaphore_mem>>) src(%arg12 : memref<256x128xf32, #tpu.memory_space<vmem>>) dst(%dma_wait3A_314 : memref<256x128xf32, #tpu.memory_space<hbm>>)
        } else {
        }
        %dma_start3A_260 = arith.constant 0 : i32
        %dma_start3A_261 = arith.constant 0 : i32
        %dma_start3A_262 = arith.constant 0 : i32
        %dma_start3A_263 = tpu.memref_slice %arg12[%dma_start3A_261, %dma_start3A_262] : memref<256x128xf32, #tpu.memory_space<vmem>> -> memref<128x128xf32, #tpu.memory_space<vmem>>
        %dma_start3A_264 = arith.constant 0 : i32
        %dma_start3A_265 = tpu.memref_slice %arg10[%dma_start3A_260, %dma_start3A_264] : memref<2x128xi32, #tpu.memory_space<vmem>> -> memref<1x128xi32, #tpu.memory_space<vmem>>
        %dma_start3A_266 = tpu.memref_squeeze %dma_start3A_265 : memref<1x128xi32, #tpu.memory_space<vmem>> -> memref<128xi32, #tpu.memory_space<vmem>>
        %dma_start3A_267 = arith.constant 0 : i32
        %dma_start3A_268 = arith.constant 0 : i32
        %dma_start3A_269 = tpu.memref_slice %arg5[%dma_start3A_267, %dma_start3A_268] : memref<274632x128xf32, #tpu.memory_space<hbm>> -> memref<274632x128xf32, #tpu.memory_space<hbm>>
        tpu.enqueue_indirect_dma source(%dma_start3A_269 : memref<274632x128xf32, #tpu.memory_space<hbm>>) target(%dma_start3A_263 : memref<128x128xf32, #tpu.memory_space<vmem>>) offsets(%dma_start3A_266 : memref<128xi32, #tpu.memory_space<vmem>>) semaphore(%arg16 : memref<!tpu.dma_semaphore, #tpu.memory_space<semaphore_mem>>)
        %dma_start3A_270 = arith.constant 1 : i32
        %dma_start3A_271 = arith.constant 128 : i32
        %dma_start3A_272 = arith.constant 0 : i32
        %dma_start3A_273 = tpu.memref_slice %arg12[%dma_start3A_271, %dma_start3A_272] : memref<256x128xf32, #tpu.memory_space<vmem>> -> memref<128x128xf32, #tpu.memory_space<vmem>>
        %dma_start3A_274 = arith.constant 0 : i32
        %dma_start3A_275 = tpu.memref_slice %arg10[%dma_start3A_270, %dma_start3A_274] : memref<2x128xi32, #tpu.memory_space<vmem>> -> memref<1x128xi32, #tpu.memory_space<vmem>>
        %dma_start3A_276 = tpu.memref_squeeze %dma_start3A_275 : memref<1x128xi32, #tpu.memory_space<vmem>> -> memref<128xi32, #tpu.memory_space<vmem>>
        %dma_start3A_277 = arith.constant 0 : i32
        %dma_start3A_278 = arith.constant 0 : i32
        %dma_start3A_279 = tpu.memref_slice %arg5[%dma_start3A_277, %dma_start3A_278] : memref<274632x128xf32, #tpu.memory_space<hbm>> -> memref<274632x128xf32, #tpu.memory_space<hbm>>
        tpu.enqueue_indirect_dma source(%dma_start3A_279 : memref<274632x128xf32, #tpu.memory_space<hbm>>) target(%dma_start3A_273 : memref<128x128xf32, #tpu.memory_space<vmem>>) offsets(%dma_start3A_276 : memref<128xi32, #tpu.memory_space<vmem>>) semaphore(%arg16 : memref<!tpu.dma_semaphore, #tpu.memory_space<semaphore_mem>>)
        %sub3A = arith.constant 1 : i32
        %sub3A_280 = arith.subi %add3A_193, %sub3A : i32
        %dma_wait3A_281 = arith.constant 0 : i32
        %dma_wait3A_282 = arith.constant 0 : i32
        %dma_wait3A_283 = arith.constant 0 : i32
        %dma_wait3A_284 = tpu.memref_slice %arg11[%dma_wait3A_282, %dma_wait3A_283] : memref<256x128xf32, #tpu.memory_space<vmem>> -> memref<128x128xf32, #tpu.memory_space<vmem>>
        %dma_wait3A_285 = arith.constant 0 : i32
        %dma_wait3A_286 = tpu.memref_slice %arg9[%dma_wait3A_281, %dma_wait3A_285] : memref<2x128xi32, #tpu.memory_space<vmem>> -> memref<1x128xi32, #tpu.memory_space<vmem>>
        %dma_wait3A_287 = tpu.memref_squeeze %dma_wait3A_286 : memref<1x128xi32, #tpu.memory_space<vmem>> -> memref<128xi32, #tpu.memory_space<vmem>>
        %dma_wait3A_288 = arith.constant 0 : i32
        %dma_wait3A_289 = arith.constant 0 : i32
        %dma_wait3A_290 = tpu.memref_slice %arg5[%dma_wait3A_288, %dma_wait3A_289] : memref<274632x128xf32, #tpu.memory_space<hbm>> -> memref<274632x128xf32, #tpu.memory_space<hbm>>
        tpu.wait_indirect_dma semaphore(%arg15 : memref<!tpu.dma_semaphore, #tpu.memory_space<semaphore_mem>>) src(%dma_wait3A_290 : memref<274632x128xf32, #tpu.memory_space<hbm>>) dst(%dma_wait3A_284 : memref<128x128xf32, #tpu.memory_space<vmem>>)
        %dma_wait3A_291 = arith.constant 1 : i32
        %dma_wait3A_292 = arith.constant 128 : i32
        %dma_wait3A_293 = arith.constant 0 : i32
        %dma_wait3A_294 = tpu.memref_slice %arg11[%dma_wait3A_292, %dma_wait3A_293] : memref<256x128xf32, #tpu.memory_space<vmem>> -> memref<128x128xf32, #tpu.memory_space<vmem>>
        %dma_wait3A_295 = arith.constant 0 : i32
        %dma_wait3A_296 = tpu.memref_slice %arg9[%dma_wait3A_291, %dma_wait3A_295] : memref<2x128xi32, #tpu.memory_space<vmem>> -> memref<1x128xi32, #tpu.memory_space<vmem>>
        %dma_wait3A_297 = tpu.memref_squeeze %dma_wait3A_296 : memref<1x128xi32, #tpu.memory_space<vmem>> -> memref<128xi32, #tpu.memory_space<vmem>>
        %dma_wait3A_298 = arith.constant 0 : i32
        %dma_wait3A_299 = arith.constant 0 : i32
        %dma_wait3A_300 = tpu.memref_slice %arg5[%dma_wait3A_298, %dma_wait3A_299] : memref<274632x128xf32, #tpu.memory_space<hbm>> -> memref<274632x128xf32, #tpu.memory_space<hbm>>
        tpu.wait_indirect_dma semaphore(%arg15 : memref<!tpu.dma_semaphore, #tpu.memory_space<semaphore_mem>>) src(%dma_wait3A_300 : memref<274632x128xf32, #tpu.memory_space<hbm>>) dst(%dma_wait3A_294 : memref<128x128xf32, #tpu.memory_space<vmem>>)
        %mul3A_301 = arith.constant 256 : i32
        %mul3A_302 = arith.muli %sub3A_280, %mul3A_301 : i32
        %add3A_303 = arith.addi %mul3A_2, %mul3A_302 : i32
        %dma_start3A_304 = arith.constant 0 : i32
        %dma_start3A_305 = tpu.memref_slice %arg6[%add3A_303, %dma_start3A_304] : memref<524288x128xf32, #tpu.memory_space<hbm>> -> memref<256x128xf32, #tpu.memory_space<hbm>>
        %dma_start3A_306 = arith.constant 0 : i32
        %dma_start3A_307 = tpu.memref_slice %arg6[%add3A_303, %dma_start3A_306] : memref<524288x128xf32, #tpu.memory_space<hbm>> -> memref<256x128xf32, #tpu.memory_space<hbm>>
        tpu.enqueue_dma source(%arg11 : memref<256x128xf32, #tpu.memory_space<vmem>>) target(%dma_start3A_307 : memref<256x128xf32, #tpu.memory_space<hbm>>) target_semaphore(%arg17 : memref<!tpu.dma_semaphore, #tpu.memory_space<semaphore_mem>>)
      } else {
      }
    }
    %scan3A_150 = arith.constant 63 : i32
    %dma_wait3A_151 = arith.constant 0 : i32
    %dma_wait3A_152 = arith.constant 0 : i32
    %dma_wait3A_153 = arith.constant 0 : i32
    %dma_wait3A_154 = tpu.memref_slice %arg12[%dma_wait3A_152, %dma_wait3A_153] : memref<256x128xf32, #tpu.memory_space<vmem>> -> memref<128x128xf32, #tpu.memory_space<vmem>>
    %dma_wait3A_155 = arith.constant 0 : i32
    %dma_wait3A_156 = tpu.memref_slice %arg10[%dma_wait3A_151, %dma_wait3A_155] : memref<2x128xi32, #tpu.memory_space<vmem>> -> memref<1x128xi32, #tpu.memory_space<vmem>>
    %dma_wait3A_157 = tpu.memref_squeeze %dma_wait3A_156 : memref<1x128xi32, #tpu.memory_space<vmem>> -> memref<128xi32, #tpu.memory_space<vmem>>
    %dma_wait3A_158 = arith.constant 0 : i32
    %dma_wait3A_159 = arith.constant 0 : i32
    %dma_wait3A_160 = tpu.memref_slice %arg5[%dma_wait3A_158, %dma_wait3A_159] : memref<274632x128xf32, #tpu.memory_space<hbm>> -> memref<274632x128xf32, #tpu.memory_space<hbm>>
    tpu.wait_indirect_dma semaphore(%arg16 : memref<!tpu.dma_semaphore, #tpu.memory_space<semaphore_mem>>) src(%dma_wait3A_160 : memref<274632x128xf32, #tpu.memory_space<hbm>>) dst(%dma_wait3A_154 : memref<128x128xf32, #tpu.memory_space<vmem>>)
    %dma_wait3A_161 = arith.constant 1 : i32
    %dma_wait3A_162 = arith.constant 128 : i32
    %dma_wait3A_163 = arith.constant 0 : i32
    %dma_wait3A_164 = tpu.memref_slice %arg12[%dma_wait3A_162, %dma_wait3A_163] : memref<256x128xf32, #tpu.memory_space<vmem>> -> memref<128x128xf32, #tpu.memory_space<vmem>>
    %dma_wait3A_165 = arith.constant 0 : i32
    %dma_wait3A_166 = tpu.memref_slice %arg10[%dma_wait3A_161, %dma_wait3A_165] : memref<2x128xi32, #tpu.memory_space<vmem>> -> memref<1x128xi32, #tpu.memory_space<vmem>>
    %dma_wait3A_167 = tpu.memref_squeeze %dma_wait3A_166 : memref<1x128xi32, #tpu.memory_space<vmem>> -> memref<128xi32, #tpu.memory_space<vmem>>
    %dma_wait3A_168 = arith.constant 0 : i32
    %dma_wait3A_169 = arith.constant 0 : i32
    %dma_wait3A_170 = tpu.memref_slice %arg5[%dma_wait3A_168, %dma_wait3A_169] : memref<274632x128xf32, #tpu.memory_space<hbm>> -> memref<274632x128xf32, #tpu.memory_space<hbm>>
    tpu.wait_indirect_dma semaphore(%arg16 : memref<!tpu.dma_semaphore, #tpu.memory_space<semaphore_mem>>) src(%dma_wait3A_170 : memref<274632x128xf32, #tpu.memory_space<hbm>>) dst(%dma_wait3A_164 : memref<128x128xf32, #tpu.memory_space<vmem>>)
    %add3A_171 = arith.constant 16128 : i32
    %add3A_172 = arith.addi %mul3A_2, %add3A_171 : i32
    %dma_start3A_173 = arith.constant 0 : i32
    %dma_start3A_174 = tpu.memref_slice %arg6[%add3A_172, %dma_start3A_173] : memref<524288x128xf32, #tpu.memory_space<hbm>> -> memref<256x128xf32, #tpu.memory_space<hbm>>
    %dma_start3A_175 = arith.constant 0 : i32
    %dma_start3A_176 = tpu.memref_slice %arg6[%add3A_172, %dma_start3A_175] : memref<524288x128xf32, #tpu.memory_space<hbm>> -> memref<256x128xf32, #tpu.memory_space<hbm>>
    tpu.enqueue_dma source(%arg12 : memref<256x128xf32, #tpu.memory_space<vmem>>) target(%dma_start3A_176 : memref<256x128xf32, #tpu.memory_space<hbm>>) target_semaphore(%arg18 : memref<!tpu.dma_semaphore, #tpu.memory_space<semaphore_mem>>)
    %add3A_177 = arith.constant 15872 : i32
    %add3A_178 = arith.addi %mul3A_2, %add3A_177 : i32
    %dma_wait3A_179 = arith.constant 0 : i32
    %dma_wait3A_180 = tpu.memref_slice %arg6[%add3A_178, %dma_wait3A_179] : memref<524288x128xf32, #tpu.memory_space<hbm>> -> memref<256x128xf32, #tpu.memory_space<hbm>>
    %dma_wait3A_181 = arith.constant 0 : i32
    %dma_wait3A_182 = tpu.memref_slice %arg6[%add3A_178, %dma_wait3A_181] : memref<524288x128xf32, #tpu.memory_space<hbm>> -> memref<256x128xf32, #tpu.memory_space<hbm>>
    tpu.wait_dma2 semaphore(%arg17 : memref<!tpu.dma_semaphore, #tpu.memory_space<semaphore_mem>>) src(%arg11 : memref<256x128xf32, #tpu.memory_space<vmem>>) dst(%dma_wait3A_182 : memref<256x128xf32, #tpu.memory_space<hbm>>)
    %add3A_183 = arith.constant 16128 : i32
    %add3A_184 = arith.addi %mul3A_2, %add3A_183 : i32
    %dma_wait3A_185 = arith.constant 0 : i32
    %dma_wait3A_186 = tpu.memref_slice %arg6[%add3A_184, %dma_wait3A_185] : memref<524288x128xf32, #tpu.memory_space<hbm>> -> memref<256x128xf32, #tpu.memory_space<hbm>>
    %dma_wait3A_187 = arith.constant 0 : i32
    %dma_wait3A_188 = tpu.memref_slice %arg6[%add3A_184, %dma_wait3A_187] : memref<524288x128xf32, #tpu.memory_space<hbm>> -> memref<256x128xf32, #tpu.memory_space<hbm>>
    tpu.wait_dma2 semaphore(%arg18 : memref<!tpu.dma_semaphore, #tpu.memory_space<semaphore_mem>>) src(%arg12 : memref<256x128xf32, #tpu.memory_space<vmem>>) dst(%dma_wait3A_188 : memref<256x128xf32, #tpu.memory_space<hbm>>)
    return
  }
}

</mosaic_0001>

<sc_bundles>
// kernel: kernel.3.cloned.1.call-start
scs
__scs_entry_jumppad:
0x0: {  	(pc) =	sbr.rel $0x88, $3  }
0x1: {  	(tag) =	ssettag $0x0;
	lr =	simm.s32 $0x1  }
0x2: {  	[smem:$0x3F9F] =	sst lr;
	_ =	strace $0xD0000000  }
0x3: {  	_ = 	snop  }
0x4: {  	_ = 	snop  }
0x5: {  	_ = 	snop  }
0x6: {  	_ = 	snop  }
0x7: {  	_ = 	snop  }
__scs_overlays_trampoline_lowered:
0x8: {  	[smem:$0x3FAE] =	sst s0  }
0x9: {  	[smem:$0x3FAF] =	sst s1  }
0xa: {  	[smem:$0x3FB0] =	sst s2  }
0xb: {  	[smem:$0x3FB1] =	sst s3  }
0xc: {  	[smem:$0x3FB2] =	sst s4  }
0xd: {  	[smem:$0x3FB3] =	sst s5  }
0xe: {  	[smem:$0x3FB4] =	sst s6  }
0xf: {  	[smem:$0x3FB5] =	sst s7  }
0x10: {  	[smem:$0x3FB6] =	sst s8  }
0x11: {  	[smem:$0x3FB7] =	sst s9;
	s0 =	simm.s32 @!p0 $0x0  }
0x12: {  	s1 =	sld [smem:$0x3F9D];
	s0 =	simm.s32 @p0 $0x1  }
0x13: {  	[smem:$0x3FB8] =	sst s0;
	s0 =	simm.s32 @!p1 $0x0  }
0x14: {  	s2 =	sld [smem:$0x3F9C];
	s0 =	simm.s32 @p1 $0x1  }
0x15: {  	[smem:$0x3FB9] =	sst s0;
	s0 =	simm.s32 @!p2 $0x0  }
0x16: {  	s3 =	sld [smem:$0x3FDB];
	s0 =	simm.s32 @p2 $0x1  }
0x17: {  	s4 =	simm.s32 $0x1BF5;
	[smem:$0x3FBB] =	sst s0  }
0x18: {  	s0 =	sld [smem:$0x3F9E];
	_ =	swait.ge [sflag:s4], $0x0  }
0x19: {  	s7 =	sld [smem:$0x3F9F]  }
0x1a: {  	s8 =	sadd.s32 $0xFFFFE003, lr  }
0x1b: {  	s9 =	sadd.s32 $0xFFFFFEF7, lr;
	s5 =	simm.s32 $0xFFFFFFFF;
	p2 =	slt.u32 s8, $0xFFFFF086  }
0x1c: {  	p1 =	slt.u32 s9, $0xF7A;
	s5 =	simm.s32 @!p2 $0x0  }
0x1d: {  	s5 =	simm.s32 @p1 $0x1;
	p0 =	seq.s32 s7, s2  }
0x1e: {  	s7 =	smul.u32 @!p0 $0xF7A, s2;
	p2 =	seq.s32 @!p0 s5, $0x0  }
0x1f: {  	s9 =	smul.u32 $0xF7A, s1;
	s8 =	simm.s32 @!p0 $0x1BF5;
	p2 =	por !p2, p0  }
0x20: {  	[sflag:s8] =	ssyncset.s32 @!p0 $0xFFFFF086;
	s6 =	sadd.s32 @!p0 s3, s7;
	s7 =	simm.s32 @!p0 $0x108  }
0x21: {  	s3 =	sadd.s32 s3, s9;
	s6 =	sadd.s32 @!p0 $0x88, s6;
	s7 =	simm.s32 @p2 $0x1082  }
0x22: {  	[simem:s7], [sflag:s8] =	dma.local @!p0 [hbm:s6], $0xF7A  }
0x23: {  	s9 =	sor.u32 $0xD0000000, s2;
	s6 =	simm.s32 $0x108;
	_ =	swait.ge @!p0 [sflag:s8], $0x0  }
0x24: {  	s3 =	sadd.s32 $0x88, s3;
	s6 =	simm.s32 @!p1 $0x1082;
	[sflag:s4] =	ssyncset.s32 $0xFFFFF086  }
0x25: {  	[simem:s6], [sflag:s4] =	dma.local [hbm:s3], $0xF7A  }
0x26: {  	[smem:$0x3F9F] =	sst s1;
	(tag) =	ssettag s2;
	_ =	strace s9  }
0x27: {  	s1 =	sld [smem:$0x3FAF]  }
0x28: {  	s2 =	sld [smem:$0x3FB0]  }
0x29: {  	s4 =	sld [smem:$0x3FB2]  }
0x2a: {  	p0 =	seq.s32 s5, $0x0;
	s5 =	sld [smem:$0x3FB3]  }
0x2b: {  	s6 =	sld [smem:$0x3FB4]  }
0x2c: {  	s7 =	sld [smem:$0x3FB5]  }
0x2d: {  	s3 =	simm.s32 $0x108;
	s8 =	sld [smem:$0x3FB6]  }
0x2e: {  	s3 =	simm.s32 @!p0 $0x1082;
	s9 =	sld [smem:$0x3FB7]  }
0x2f: {  	lr =	sadd.s32 s0, s3;
	s0 =	sld [smem:$0x3FAE]  }
0x30: {  	s3 =	sld [smem:$0x3FB1]  }
0x31: {  	[smem:$0x3FBA] =	sst s10  }
0x32: {  	s10 =	sld [smem:$0x3FB8];
	_ =	sdelay $0x3  }
0x33: {  	p0 =	seq.s32 s10, $0x1;
	s10 =	sld [smem:$0x3FBA];
	_ =	sdelay $0x3  }
0x34: {  	[smem:$0x3FBA] =	sst s10  }
0x35: {  	s10 =	sld [smem:$0x3FB9];
	_ =	sdelay $0x3  }
0x36: {  	p1 =	seq.s32 s10, $0x1;
	s10 =	sld [smem:$0x3FBA];
	_ =	sdelay $0x3  }
0x37: {  	[smem:$0x3FBA] =	sst s10  }
0x38: {  	s10 =	sld [smem:$0x3FBB]  }
0x39: {  	_ = 	snop;
	(pc) =	sbr.ind lr, $3  }
0x3a: {  	_ = 	snop  }
0x3b: {  	_ = 	snop  }
0x3c: {  	p2 =	seq.s32 s10, $0x1;
	s10 =	sld [smem:$0x3FBA]  }
0x3d: {  	_ =	shalt  }
0x3e: {  	_ =	shalt  }
0x3f: {  	_ =	shalt  }
0x40: {  	_ =	shalt  }
0x41: {  	_ =	shalt  }
0x42: {  	_ =	shalt  }
0x43: {  	_ =	shalt  }
0x44: {  	_ =	shalt  }
0x45: {  	_ =	shalt  }
0x46: {  	_ =	shalt  }
0x47: {  	_ =	shalt  }
0x48: {  	_ =	shalt  }
0x49: {  	_ =	shalt  }
0x4a: {  	_ =	shalt  }
0x4b: {  	_ =	shalt  }
0x4c: {  	_ =	shalt  }
0x4d: {  	_ =	shalt  }
0x4e: {  	_ =	shalt  }
0x4f: {  	_ =	shalt  }
0x50: {  	_ =	shalt  }
0x51: {  	_ =	shalt  }
0x52: {  	_ =	shalt  }
0x53: {  	_ =	shalt  }
0x54: {  	_ =	shalt  }
0x55: {  	_ =	shalt  }
0x56: {  	_ =	shalt  }
0x57: {  	_ =	shalt  }
0x58: {  	_ =	shalt  }
0x59: {  	_ =	shalt  }
0x5a: {  	_ =	shalt  }
0x5b: {  	_ =	shalt  }
0x5c: {  	_ =	shalt  }
0x5d: {  	_ =	shalt  }
0x5e: {  	_ =	shalt  }
0x5f: {  	_ =	shalt  }
0x60: {  	_ =	shalt  }
0x61: {  	_ =	shalt  }
0x62: {  	_ =	shalt  }
0x63: {  	_ =	shalt  }
0x64: {  	_ =	shalt  }
0x65: {  	_ =	shalt  }
0x66: {  	_ =	shalt  }
0x67: {  	_ =	shalt  }
0x68: {  	_ =	shalt  }
0x69: {  	_ =	shalt  }
0x6a: {  	_ =	shalt  }
0x6b: {  	_ =	shalt  }
0x6c: {  	_ =	shalt  }
0x6d: {  	_ =	shalt  }
0x6e: {  	_ =	shalt  }
0x6f: {  	_ =	shalt  }
0x70: {  	_ =	shalt  }
0x71: {  	_ =	shalt  }
0x72: {  	_ =	shalt  }
0x73: {  	_ =	shalt  }
0x74: {  	_ =	shalt  }
0x75: {  	_ =	shalt  }
0x76: {  	_ =	shalt  }
0x77: {  	_ =	shalt  }
0x78: {  	_ =	shalt  }
0x79: {  	_ =	shalt  }
0x7a: {  	_ =	shalt  }
0x7b: {  	_ =	shalt  }
0x7c: {  	_ =	shalt  }
0x7d: {  	_ =	shalt  }
0x7e: {  	_ =	shalt  }
0x7f: {  	_ =	shalt  }
0x80: {  	_ =	shalt  }
0x81: {  	_ =	shalt  }
0x82: {  	_ =	shalt  }
0x83: {  	_ =	shalt  }
0x84: {  	_ =	shalt  }
0x85: {  	_ =	shalt  }
0x86: {  	_ =	shalt  }
0x87: {  	_ =	shalt  }
.Lfunc_end0:
.L_simem_size_0:
called_computation.1_lowered:
.L_overlay_start_0:
0x88: {  	s2 =	sld [smem:$0x3FD9]  }
0x89: {  	s3 =	sld [smem:$0x3FFE];
	_ =	sdelay $0x1  }
0x8a: {  	s1 =	srdreg.scid  }
0x8b: {  	s0 =	sand.u32 $0x1, s1  }
0x8c: {  	s17 =	sshll.u32 s0, $0xA;
	s2 =	sadd.s32 s3, s2  }
0x8d: {  	s2 =	sadd.s32 s2, s17  }
0x8e: {  	[smem:$0x3FC6] =	sst s2  }
0x8f: {  	_ = 	snop  }
0x90: {  	s2 =	sld [smem:$0x3FD0];
	(tm) =	ssettm $0x1  }
0x91: {  	s18 =	sld [smem:$0x3FFB];
	_ =	sdelay $0x3  }
0x92: {  	_ =	strace s18  }
0x93: {  	s3 =	sld [smem:$0x3FFC];
	_ =	sdelay $0x3  }
0x94: {  	_ =	strace s3  }
0x95: {  	s3 =	sld [smem:$0x3FFD];
	_ =	sdelay $0x3  }
0x96: {  	_ =	strace s3  }
0x97: {  	_ =	strace $0x8FFFFFFF  }
0x98: {  	s19 =	sld [smem:$0x3FDB];
	_ =	sdelay $0x1  }
0x99: {  	s4 =	simm.s32 $_scs_section_size  }
0x9a: {  	s5 =	simm.s32 $_size__tile_overlayer_lowered;
	s6 =	simm.s32 $_tile_overlayer_lowered  }
0x9b: {  	s22 =	simm.s32 $0x1BFF;
	s21 =	sshll.u32 s6, $0x1;
	s3 =	sadd.s32 s4, s19  }
0x9c: {  	s7 =	simm.s32 $0x0;
	s20 =	sshll.u32 s5, $0x1;
	s5 =	sadd.s32 s21, s3  }
0x9d: {  	[timem:s7], [sflag:s22] =	dma.local [hbm:s5], s20  }
0x9e: {  	_ =	swait.ge [sflag:s22], s20  }
0x9f: {  	s4 =	ssub.s32 $0x0, s20;
	[sflag:s22] =	ssyncset.done $0x0  }
0xa0: {  	[sflag:s22] =	ssyncadd.s32 s4;
	_ =	sdelay $0x1  }
0xa1: {  	s23 =	simm.s32 $0x1B8B  }
0xa2: {  	_ =	swait.ge [sflag:s23], $0x1  }
0xa3: {  	[sflag:s23] =	ssyncset.done $0x0  }
0xa4: {  	s25 =	simm.s32 $0x1B8E;
	s24 =	sld [smem:$0x3FFE];
	[sflag:s23] =	ssyncadd.s32 $0xFFFFFFFF  }
0xa5: {  	s26 =	simm.s32 $execute0_lowered;
	[smem:$0x3FD2] =	sst s25  }
0xa6: {  	s5 =	sshll.u32 s26, $0x1;
	_ =	strace $0x80000046;
	[dreg:$0x1] =	wrdreg $0xFFFFFFFF  }
0xa7: {  	s28 =	simm.s32 $_size_execute0_lowered;
	s3 =	sadd.s32 s3, s5;
	[dreg:$0x0] =	wrdreg $0x0  }
0xa8: {  	s5 =	sshll.u32 s28, $0x1;
	[dreg:$0x2] =	wrdreg s3  }
0xa9: {  	[dreg:$0x3] =	wrdreg s5  }
0xaa: {  	[dreg:$0x4] =	wrdreg $0xC0  }
0xab: {  	_ =	task [dreg:s7], $0x5FFFF  }
0xac: {  	[dreg:$0x1] =	wrdreg $0xFFFFFFFF  }
0xad: {  	[dreg:$0x0] =	wrdreg $0x60  }
0xae: {  	[dreg:$0x2] =	wrdreg s24  }
0xaf: {  	[dreg:$0x3] =	wrdreg s2  }
0xb0: {  	[dreg:$0x4] =	wrdreg $0x9  }
0xb1: {  	_ =	task.clear_ibuf [dreg:s7], $0x5FFFF;
	_ =	strace $0x90000046  }
0xb2: {  	s29 =	simm.s32 $0x9;
	_ =	strace $0x80000048  }
0xb3: {  	_ =	swait.ge [sflag:s29], $0x1  }
0xb4: {  	[sflag:s29] =	ssyncadd.s32 $0xFFFFFFFF  }
0xb5: {  	_ =	strace $0x90000048  }
0xb6: {  	_ =	sfence  }
0xb7: {  	s30 =	sld [smem:$0x0];
	_ =	sdelay $0x2  }
0xb8: {  	s31 =	sshll.u32 s1, $0xD;
	s1 =	sshrl.u32 s1, $0x2  }
0xb9: {  	s3 =	sand.u32 $0x4000, s31;
	s1 =	sadd.s32 s1, s30  }
0xba: {  	s0 =	sor.u32 s3, s0;
	s1 =	sshll.u32 s1, $0x11  }
0xbb: {  	s0 =	sor.u32 s1, s0  }
0xbc: {  	s0 =	sadd.s32 $0x8F2B, s0  }
0xbd: {  	[sflag:s0] =	ssyncadd.remote.s32 $0x1  }
0xbe: {  	_ =	sfence.sel $0xFFFF  }
0xbf: {  	[dreg:$0x0] =	wrdreg $0xFFFFFFFF;
	(pc) =	sbr.abs _section_cstart, $3  }
0xc0: {  	[dreg:$0x1] =	wrdreg $0xFFFFFFFF  }
0xc1: {  	_ =	task.clear_ibuf [dreg:s7], $0x2FFFF;
	_ =	strace $0x9FFFFFFF  }
0xc2: {  	(tm) =	ssettm $0x7FFFFFFF  }
0xc3: {  	_ =	shalt  }
tec
execute0_lowered:
.L_overlay_start_1:
0x0: {  	(tag) =	ssettag $0x1  }
0x1: {  	s0 =	rddreg [dreg:$0x0]  }
0x2: {  	s2 =	rddreg [dreg:$0x1];
	s1 =	simm.s32 $0x0  }
0x3: {  	s3 =	srdreg.scid;
	s11 =	stileid.u32;
	s28 =	simm.s32 $0x800  }
0x4: {  	s29 =	simm.s32 $0x680;
	s30 =	simm.s32 $0x4800;
	s31 =	simm.s32 $0x2  }
0x5: {  	[smem:$0x7FF] =	sst s1;
	s4 =	sadd.s32 $0x10A00, s0;
	s5 =	sadd.s32 $0xA00, s0  }
0x6: {  	s6 =	sand.u32 $0x1, s3;
	s3 =	sadd.s32 $0x451800, s0;
	s0 =	sadd.s32 $0x882600, s0  }
0x7: {  	s8 =	sshll.u32 s11, $0xF;
	s25 =	sshll.u32 s11, $0x13;
	_ =	strace $0x80000047  }
0x8: {  	s7 =	ssub.s32 $0x2, s6;
	s9 =	sshll.u32 s6, $0xE;
	s26 =	sshll.u32 s6, $0x12  }
0x9: {  	s6 =	simm.s32 $0x5;
	s10 =	sshrl.u32 s7, $0x1;
	s8 =	sor.u32 s9, s8  }
0xa: {  	s7 =	ssub.s32 s7, s10;
	s9 =	sshrl.u32 s8, $0x3;
	s21 =	sshll.u32 s8, $0x4  }
0xb: {  	s8 =	sor.u32 $0x300, s8;
	s16 =	sadd.s32 s4, s9;
	s17 =	sadd.s32 s5, s9  }
0xc: {  	s18 =	sor.u32 $0x20, s9;
	s12 =	sadd.s32 s2, s9;
	[dreg:$0x3] =	wrdreg s16  }
0xd: {  	s9 =	sor.u32 $0x40, s9;
	s14 =	smax.u32 s7, $0x1;
	[dreg:$0x4] =	wrdreg s17  }
0xe: {  	s24 =	sshrl.u32 s8, $0x3;
	s7 =	simm.s32 $0x0;
	[dreg:$0x5] =	wrdreg s12  }
0xf: {  	s19 =	sadd.s32 s4, s18;
	s20 =	sadd.s32 s5, s18;
	s10 =	sadd.s32 s2, s18  }
0x10: {  	s22 =	sadd.s32 s4, s9;
	s23 =	sadd.s32 s5, s9;
	[dreg:$0x6] =	wrdreg s19  }
0x11: {  	s9 =	sadd.s32 s2, s9;
	s15 =	sadd.s32 s24, s2;
	[dreg:$0x7] =	wrdreg s20  }
0x12: {  	s16 =	sadd.s32 s24, s5;
	s17 =	sadd.s32 s24, s4;
	[dreg:$0x8] =	wrdreg s10  }
0x13: {  	s24 =	simm.s32 $0x1;
	s2 =	simm.s32 $0x8800;
	[dreg:$0x9] =	wrdreg s22  }
.Ltmp0:
0x14: {  	s4 =	simm.s32 $0x6;
	[dreg:$0xa] =	wrdreg s23;
	(pc) =	sbr.rel .LBB2_1-.Ltmp0, $4  }
0x15: {  	s5 =	simm.s32 $0x4;
	s10 =	sadd.s32 s21, s0;
	[dreg:$0xb] =	wrdreg s9  }
0x16: {  	s0 =	sadd.s32 s25, s0;
	s25 =	simm.s32 $0x80;
	s21 =	simm.s32 $0x780  }
0x17: {  	s22 =	simm.s32 $0xC800;
	s23 =	simm.s32 $0x3;
	s13 =	sadd.s32 $0x3F000, s10  }
0x18: {  	s8 =	sadd.s32 s26, s0;
	s26 =	simm.s32 $0x600;
	s0 =	simm.s32 $0x700  }
.LBB2_6:
0x19: {  	_ =	swait.ge [sflag:s5], $0x4000  }
0x1a: {  	[sflag:s5] =	ssyncset.done $0x0  }
0x1b: {  	[sflag:s5] =	ssyncadd.s32 $0xFFFFC000  }
0x1c: {  	_ =	swait.ge [sflag:s5], $0x4000  }
0x1d: {  	[sflag:s5] =	ssyncset.done $0x0  }
0x1e: {  	s7 =	sadd.s32 $0x1, s7;
	[sflag:s5] =	ssyncadd.s32 $0xFFFFC000  }
0x1f: {  	[hbm4b:s13+s1] =	stream.linear.scatter [tilespmem:s2], [sflag:$0x6], $0x8000, $0x38;
	[tilespmem:$0x10800] =	vst v63  }
0x20: {  	p0 =	sne.s32 s7, s14;
	_ =	swait.ge [sflag:s6], $0x8000  }
.Ltmp1:
0x21: {  	[sflag:s6] =	ssyncset.done $0x0;
	(pc) =	sbr.rel @!p0 .LBB2_7-.Ltmp1, $4  }
0x22: {  	[sflag:s6] =	ssyncadd.s32 $0xFFFF8000  }
0x23: {  	_ =	swait.ge [sflag:s4], $0x8000  }
0x24: {  	[sflag:s4] =	ssyncset.done $0x0  }
0x25: {  	[sflag:s4] =	ssyncadd.s32 $0xFFFF8000  }
.LBB2_1:
0x26: {  	s9 =	rddreg [dreg:$0x3]  }
0x27: {  	[tilespmem:s1], [sflag:$0x1] =	stream.linear.gather [hbm4b:s9+s1], $0x100, $0x38;
	[tilespmem:$0x10800] =	vst v63  }
0x28: {  	s18 =	rddreg [dreg:$0x4];
	s10 =	simm.s32 $0x100  }
0x29: {  	[tilespmem:s10], [sflag:$0x1] =	stream.linear.gather [hbm4b:s18+s1], $0x100, $0x38;
	[tilespmem:$0x10800] =	vst v63  }
0x2a: {  	s19 =	rddreg [dreg:$0x5];
	s11 =	simm.s32 $0x200  }
0x2b: {  	[tilespmem:s11], [sflag:$0x1] =	stream.linear.gather [hbm4b:s19+s1], $0x100, $0x38;
	[tilespmem:$0x10800] =	vst v63  }
0x2c: {  	s20 =	rddreg [dreg:$0x6];
	s12 =	simm.s32 $0x300  }
0x2d: {  	[tilespmem:s12], [sflag:$0x2] =	stream.linear.gather [hbm4b:s20+s1], $0x100, $0x38;
	[tilespmem:$0x10800] =	vst v63  }
0x2e: {  	s18 =	simm.s32 $0x400;
	s12 =	rddreg [dreg:$0x7]  }
0x2f: {  	[tilespmem:s18], [sflag:$0x2] =	stream.linear.gather [hbm4b:s12+s1], $0x100, $0x38;
	[tilespmem:$0x10800] =	vst v63  }
0x30: {  	s19 =	rddreg [dreg:$0x8];
	s20 =	simm.s32 $0x500  }
0x31: {  	[tilespmem:s20], [sflag:$0x2] =	stream.linear.gather [hbm4b:s19+s1], $0x100, $0x38;
	[tilespmem:$0x10800] =	vst v63  }
0x32: {  	_ =	swait.ge [sflag:s24], $0x100  }
0x33: {  	[sflag:s24] =	ssyncset.done $0x0  }
0x34: {  	[sflag:s24] =	ssyncadd.s32 $0xFFFFFF00  }
0x35: {  	_ =	swait.ge [sflag:s24], $0x100  }
0x36: {  	[sflag:s24] =	ssyncset.done $0x0  }
0x37: {  	[sflag:s24] =	ssyncadd.s32 $0xFFFFFF00  }
0x38: {  	_ =	swait.ge [sflag:s24], $0x100  }
0x39: {  	[sflag:s24] =	ssyncset.done $0x0  }
0x3a: {  	[sflag:s24] =	ssyncadd.s32 $0xFFFFFF00  }
0x3b: {  	v0 =	vld [tilespmem:$0x0]  }
0x3c: {  	v1 =	vld [tilespmem:$0x100]  }
0x3d: {  	v2 =	vld [tilespmem:$0x200]  }
0x3e: {  	v3 =	vld [tilespmem:$0x10]  }
0x3f: {  	v4 =	vld [tilespmem:$0x110]  }
0x40: {  	v5 =	vld [tilespmem:$0x210]  }
0x41: {  	v6 =	vld [tilespmem:$0x20]  }
0x42: {  	v7 =	vld [tilespmem:$0x120]  }
0x43: {  	v39 =	vld [tilespmem:$0x220]  }
0x44: {  	v42 =	vld [tilespmem:$0x30]  }
0x45: {  	v8 =	vld [tilespmem:$0x130]  }
0x46: {  	v44 =	vld [tilespmem:$0x230]  }
0x47: {  	v9 =	vld [tilespmem:$0x40]  }
0x48: {  	v46 =	vld [tilespmem:$0x140]  }
0x49: {  	v48 =	vld [tilespmem:$0x240]  }
0x4a: {  	v10 =	vld [tilespmem:$0x50]  }
0x4b: {  	v50 =	vld [tilespmem:$0x150]  }
0x4c: {  	v52 =	vld [tilespmem:$0x250];
	vm0 =	vgt.s32 v0, $0x0;
	vm1 =	vgt.s32 v1, $0x0;
	vm6 =	vgt.s32 v2, $0x0  }
0x4d: {  	v56 =	vld [tilespmem:$0x60];
	vm7 =	vgt.s32 v3, $0x0;
	vm8 =	vgt.s32 v4, $0x0;
	vm9 =	vgt.s32 v5, $0x0  }
0x4e: {  	v11 =	vld [tilespmem:$0x160];
	vm10 =	vgt.s32 v6, $0x0;
	vm11 =	vgt.s32 v7, $0x0;
	vm12 =	vgt.s32 v39, $0x0  }
0x4f: {  	v58 =	vld [tilespmem:$0x260];
	vm13 =	vgt.s32 v42, $0x0;
	vm14 =	vgt.s32 v8, $0x0;
	vm15 =	vgt.s32 v44, $0x0  }
0x50: {  	v12 =	vld [tilespmem:$0x70];
	vm4 =	vgt.s32 v9, $0x0;
	vm5 =	vgt.s32 v46, $0x0;
	v0 =	vnsel vm0, $0x0, v0  }
0x51: {  	v60 =	vld [tilespmem:$0x170];
	v1 =	vnsel vm1, $0x0, v1;
	v2 =	vnsel vm6, $0x0, v2;
	v38 =	vnsel vm7, $0x0, v3  }
0x52: {  	v62 =	vld [tilespmem:$0x270];
	v40 =	vnsel vm8, $0x0, v4;
	v41 =	vnsel vm9, $0x0, v5;
	v6 =	vnsel vm10, $0x0, v6  }
0x53: {  	v13 =	vld [tilespmem:$0x80];
	v43 =	vnsel vm11, $0x0, v7;
	v3 =	vnsel vm12, $0x0, v39;
	v45 =	vnsel vm13, $0x0, v42  }
0x54: {  	v63 =	vld [tilespmem:$0x180];
	v47 =	vnsel vm14, $0x0, v8;
	v7 =	vnsel vm15, $0x0, v44;
	v51 =	vnsel vm4, $0x0, v9  }
0x55: {  	v17 =	vld [tilespmem:$0x280];
	v53 =	vnsel vm5, $0x0, v46;
	vm6 =	vgt.s32 v48, $0x0;
	vm7 =	vgt.s32 v10, $0x0  }
0x56: {  	v21 =	vld [tilespmem:$0x90];
	vm8 =	vgt.s32 v50, $0x0;
	vm9 =	vgt.s32 v52, $0x0;
	vm10 =	vgt.s32 v56, $0x0  }
0x57: {  	v14 =	vld [tilespmem:$0x190];
	vm11 =	vgt.s32 v11, $0x0;
	vm12 =	vgt.s32 v58, $0x0;
	vm13 =	vgt.s32 v12, $0x0  }
0x58: {  	v23 =	vld [tilespmem:$0x290];
	vm14 =	vgt.s32 v60, $0x0;
	vm15 =	vgt.s32 v62, $0x0;
	vm4 =	vgt.s32 v13, $0x0  }
0x59: {  	v15 =	vld [tilespmem:$0xA0];
	vm5 =	vgt.s32 v63, $0x0;
	v0 =	vmin.u32 v0, $0x40;
	v1 =	vmin.u32 v1, $0x40  }
0x5a: {  	v25 =	vld [tilespmem:$0x1A0];
	v2 =	vmin.u32 v2, $0x40;
	v4 =	vmin.u32 v41, $0x40;
	v6 =	vmin.u32 v6, $0x40  }
0x5b: {  	v27 =	vld [tilespmem:$0x2A0];
	v3 =	vmin.u32 v3, $0x40;
	v49 =	vmin.u32 v7, $0x40;
	v54 =	vmin.u32 v51, $0x40  }
0x5c: {  	v28 =	vld [tilespmem:$0x1B0];
	v55 =	vnsel vm6, $0x0, v48;
	v10 =	vnsel vm7, $0x0, v10;
	v57 =	vnsel vm8, $0x0, v50  }
0x5d: {  	v30 =	vld [tilespmem:$0x2B0];
	v9 =	vnsel vm9, $0x0, v52;
	v59 =	vnsel vm10, $0x0, v56;
	v61 =	vnsel vm11, $0x0, v11  }
0x5e: {  	v34 =	vld [tilespmem:$0xC0];
	v7 =	vnsel vm12, $0x0, v58;
	v16 =	vnsel vm13, $0x0, v12;
	v18 =	vnsel vm14, $0x0, v60  }
0x5f: {  	v20 =	vnsel vm15, $0x0, v62;
	v13 =	vnsel vm4, $0x0, v13;
	v22 =	vnsel vm5, $0x0, v63  }
0x60: {  	vm6 =	vgt.s32 v17, $0x0;
	vm7 =	vgt.s32 v21, $0x0;
	vm8 =	vgt.s32 v14, $0x0  }
0x61: {  	vm9 =	vgt.s32 v23, $0x0;
	vm10 =	vgt.s32 v15, $0x0;
	vm11 =	vgt.s32 v25, $0x0  }
0x62: {  	vm12 =	vgt.s32 v27, $0x0;
	vm14 =	vgt.s32 v28, $0x0;
	vm15 =	vgt.s32 v30, $0x0  }
0x63: {  	vm4 =	vgt.s32 v34, $0x0;
	v0 =	vmul.u32 $0x1081, v0;
	v1 =	vmul.u32 $0x41, v1  }
0x64: {  	v6 =	vmul.u32 $0x1081, v6;
	v5 =	vmul.u32 $0x1081, v54;
	v10 =	vmin.u32 v10, $0x40  }
0x65: {  	v9 =	vmin.u32 v9, $0x40;
	v7 =	vmin.u32 v7, $0x40;
	v19 =	vmin.u32 v16, $0x40  }
0x66: {  	v13 =	vmin.u32 v13, $0x40;
	v12 =	vnsel vm6, $0x0, v17;
	v24 =	vnsel vm7, $0x0, v21  }
0x67: {  	v36 =	vld [tilespmem:$0x2C0];
	v26 =	vnsel vm8, $0x0, v14;
	v29 =	vnsel vm10, $0x0, v15;
	v0 =	vadd.s32 v0, v1  }
0x68: {  	v1 =	vmin.u32 v38, $0x40;
	v0 =	vadd.s32 v2, v0;
	v2 =	vmin.u32 v40, $0x40  }
0x69: {  	v31 =	vnsel vm11, $0x0, v25;
	v1 =	vmul.u32 $0x1081, v1;
	v2 =	vmul.u32 $0x41, v2  }
0x6a: {  	v33 =	vnsel vm12, $0x0, v27;
	v35 =	vnsel vm14, $0x0, v28;
	v15 =	vnsel vm15, $0x0, v30  }
0x6b: {  	v46 =	vld [tilespmem:$0x2E0];
	v37 =	vnsel vm4, $0x0, v34;
	v1 =	vadd.s32 v1, v2;
	v2 =	vmin.u32 v43, $0x40  }
0x6c: {  	vm6 =	vgt.s32 v36, $0x0;
	v10 =	vmul.u32 $0x1081, v10;
	v2 =	vmul.u32 $0x41, v2  }
0x6d: {  	v51 =	vld [tilespmem:$0x1F0];
	v8 =	vmul.u32 $0x1081, v19;
	v13 =	vmul.u32 $0x1081, v13;
	v1 =	vadd.s32 v4, v1  }
0x6e: {  	v16 =	vld [tilespmem:$0xB0];
	v4 =	vmin.u32 v45, $0x40;
	v2 =	vadd.s32 v6, v2;
	v6 =	vmin.u32 v47, $0x40  }
0x6f: {  	v17 =	vld [tilespmem:$0x1C0];
	v12 =	vmin.u32 v12, $0x40;
	v4 =	vmul.u32 $0x1081, v4;
	v6 =	vmul.u32 $0x41, v6  }
0x70: {  	v32 =	vmin.u32 v29, $0x40;
	v15 =	vmin.u32 v15, $0x40;
	vm12 =	vgt.s32 v46, $0x0  }
0x71: {  	v19 =	vld [tilespmem:$0xE0];
	v11 =	vmul.u32 $0x1081, v32;
	v56 =	vnsel vm12, $0x0, v46;
	v4 =	vadd.s32 v4, v6  }
0x72: {  	v38 =	vld [tilespmem:$0x1D0];
	v2 =	vadd.s32 v3, v2;
	v3 =	vadd.s32 v49, v4;
	v4 =	vmin.u32 v53, $0x40  }
0x73: {  	vm14 =	vgt.s32 v51, $0x0;
	vm13 =	vgt.s32 v16, $0x0;
	v4 =	vmul.u32 $0x41, v4  }
0x74: {  	vm5 =	vgt.s32 v17, $0x0;
	v58 =	vnsel vm14, $0x0, v51;
	v16 =	vnsel vm13, $0x0, v16  }
0x75: {  	v48 =	vld [tilespmem:$0xF0];
	v39 =	vnsel vm5, $0x0, v17;
	v4 =	vadd.s32 v5, v4;
	v5 =	vmin.u32 v57, $0x40  }
0x76: {  	v43 =	vld [tilespmem:$0x1E0];
	vm10 =	vgt.s32 v19, $0x0;
	v6 =	vmin.u32 v55, $0x40;
	v5 =	vmul.u32 $0x41, v5  }
0x77: {  	v16 =	vmin.u32 v16, $0x40;
	vm8 =	vgt.s32 v38, $0x0;
	v55 =	vld [tilespmem:$0x2F0];
	v4 =	vadd.s32 v6, v4  }
0x78: {  	v6 =	vmin.u32 v59, $0x40;
	v5 =	vadd.s32 v10, v5;
	v10 =	vmin.u32 v61, $0x40  }
0x79: {  	v47 =	vnsel vm8, $0x0, v38;
	v6 =	vmul.u32 $0x1081, v6;
	v10 =	vmul.u32 $0x41, v10  }
0x7a: {  	vm13 =	vgt.s32 v48, $0x0;
	v16 =	vmul.u32 $0x1081, v16;
	[tilespmem:$0x620] =	vst v2;
	v2 =	vmin.u32 v47, $0x40  }
0x7b: {  	vm11 =	vgt.s32 v43, $0x0;
	v2 =	vmul.u32 $0x41, v2;
	v6 =	vadd.s32 v6, v10  }
0x7c: {  	v40 =	vld [tilespmem:$0x2D0];
	vm15 =	vgt.s32 v55, $0x0;
	v6 =	vadd.s32 v7, v6;
	v7 =	vmin.u32 v18, $0x40  }
0x7d: {  	v54 =	vnsel vm11, $0x0, v43;
	v62 =	vnsel vm15, $0x0, v55;
	v7 =	vmul.u32 $0x41, v7  }
0x7e: {  	v53 =	vnsel vm10, $0x0, v19;
	v57 =	vnsel vm13, $0x0, v48;
	v63 =	vmin.u32 v62, $0x40  }
0x7f: {  	v5 =	vadd.s32 v9, v5;
	v18 =	vld [tilespmem:$0xD0];
	v7 =	vadd.s32 v8, v7;
	v8 =	vmin.u32 v22, $0x40  }
0x80: {  	v9 =	vnsel vm9, $0x0, v23;
	v10 =	vmin.u32 v20, $0x40;
	v8 =	vmul.u32 $0x41, v8  }
0x81: {  	vm9 =	vgt.s32 v40, $0x0;
	v9 =	vmin.u32 v9, $0x40;
	v7 =	vadd.s32 v10, v7  }
0x82: {  	v10 =	vmin.u32 v24, $0x40;
	v8 =	vadd.s32 v13, v8;
	v13 =	vmin.u32 v26, $0x40  }
0x83: {  	v50 =	vnsel vm9, $0x0, v40;
	v10 =	vmul.u32 $0x1081, v10;
	v13 =	vmul.u32 $0x41, v13  }
0x84: {  	[tilespmem:$0x650] =	vst v5;
	v5 =	vmin.u32 v53, $0x40;
	v52 =	vmin.u32 v50, $0x40;
	vm7 =	vgt.s32 v18, $0x0  }
0x85: {  	[tilespmem:$0x670] =	vst v7;
	v7 =	vmin.u32 v57, $0x40;
	v45 =	vnsel vm7, $0x0, v18;
	v10 =	vadd.s32 v10, v13  }
0x86: {  	[tilespmem:$0x600] =	vst v0;
	v59 =	vmul.u32 $0x1081, v7;
	v9 =	vadd.s32 v9, v10;
	v10 =	vmin.u32 v31, $0x40  }
0x87: {  	[tilespmem:$0x630] =	vst v3;
	v8 =	vadd.s32 v12, v8;
	v49 =	vmin.u32 v45, $0x40;
	v10 =	vmul.u32 $0x41, v10  }
0x88: {  	v3 =	vmul.u32 $0x1081, v49;
	[tilespmem:$0x680] =	vst v8;
	v8 =	vmin.u32 v58, $0x40;
	v13 =	vmin.u32 v33, $0x40  }
0x89: {  	[tilespmem:$0x610] =	vst v1;
	v60 =	vmul.u32 $0x41, v8;
	v10 =	vadd.s32 v11, v10;
	v11 =	vmin.u32 v35, $0x40  }
0x8a: {  	[tilespmem:$0x640] =	vst v4;
	v2 =	vadd.s32 v3, v2;
	v3 =	vmin.u32 v54, $0x40;
	v11 =	vmul.u32 $0x41, v11  }
0x8b: {  	[tilespmem:$0x660] =	vst v6;
	v2 =	vadd.s32 v52, v2;
	v0 =	vadd.s32 v59, v60;
	v10 =	vadd.s32 v13, v10  }
0x8c: {  	[tilespmem:$0x690] =	vst v9;
	v13 =	vmin.u32 v37, $0x40;
	v11 =	vadd.s32 v16, v11;
	v16 =	vmin.u32 v39, $0x40  }
0x8d: {  	[tilespmem:$0x6D0] =	vst v2;
	v0 =	vadd.s32 v63, v0;
	v13 =	vmul.u32 $0x1081, v13;
	v16 =	vmul.u32 $0x41, v16  }
0x8e: {  	v5 =	vmul.u32 $0x1081, v5;
	v12 =	vnsel vm6, $0x0, v36;
	v3 =	vmul.u32 $0x41, v3;
	[tilespmem:$0x6F0] =	vst v0  }
0x8f: {  	v42 =	vmin.u32 v12, $0x40;
	[tilespmem:$0x6A0] =	vst v10;
	v41 =	vadd.s32 v15, v11;
	v44 =	vadd.s32 v13, v16  }
0x90: {  	v4 =	vmin.u32 v56, $0x40;
	v61 =	vadd.s32 v5, v3;
	[tilespmem:$0x6B0] =	vst v41;
	v1 =	vadd.s32 v42, v44  }
0x91: {  	[tilespmem:$0x6C0] =	vst v1;
	v1 =	vadd.s32 v4, v61  }
0x92: {  	s18 =	rddreg [dreg:$0x9];
	[tilespmem:$0x6E0] =	vst v1  }
0x93: {  	[tilespmem:s1], [sflag:$0x1] =	stream.linear.gather [hbm4b:s18+s1], $0x100, $0x38;
	[tilespmem:$0x10800] =	vst v63  }
0x94: {  	s19 =	rddreg [dreg:$0xa]  }
0x95: {  	[tilespmem:s10], [sflag:$0x1] =	stream.linear.gather [hbm4b:s19+s1], $0x100, $0x38;
	[tilespmem:$0x10800] =	vst v63  }
0x96: {  	s20 =	rddreg [dreg:$0xb]  }
0x97: {  	[tilespmem:s11], [sflag:$0x1] =	stream.linear.gather [hbm4b:s20+s1], $0x100, $0x38;
	[tilespmem:$0x10800] =	vst v63  }
.Ltmp2:
0x98: {  	_ = 	snop;
	(pc) =	sbr.rel .LBB2_2-.Ltmp2, $4  }
0x99: {  	_ = 	snop  }
0x9a: {  	[tilespmem:s28], [sflag:$0x3] =	stream.indirect.gather [hbm4b:s3+s25], $0x80, s26, s25, $0xb8;
	[tilespmem:$0x10800] =	vst v63  }
0x9b: {  	s9 =	simm.s32 $0x0;
	s18 =	smov.u32 s8;
	s19 =	simm.s32 $0x0  }
0x9c: {  	[tilespmem:s30], [sflag:$0x3] =	stream.indirect.gather [hbm4b:s3+s25], $0x80, s29, s25, $0xb8;
	[tilespmem:$0x10800] =	vst v63  }
.LBB2_4:
0x9d: {  	_ =	swait.ge [sflag:s31], $0x100  }
0x9e: {  	[sflag:s31] =	ssyncset.done $0x0  }
0x9f: {  	[sflag:s31] =	ssyncadd.s32 $0xFFFFFF00  }
0xa0: {  	_ =	swait.ge [sflag:s31], $0x100  }
0xa1: {  	[sflag:s31] =	ssyncset.done $0x0  }
0xa2: {  	[sflag:s31] =	ssyncadd.s32 $0xFFFFFF00  }
0xa3: {  	_ =	swait.ge [sflag:s31], $0x100  }
0xa4: {  	[sflag:s31] =	ssyncset.done $0x0  }
0xa5: {  	[sflag:s31] =	ssyncadd.s32 $0xFFFFFF00  }
0xa6: {  	v0 =	vld [tilespmem:$0x300]  }
0xa7: {  	v1 =	vld [tilespmem:$0x400]  }
0xa8: {  	v2 =	vld [tilespmem:$0x500]  }
0xa9: {  	v3 =	vld [tilespmem:$0x310]  }
0xaa: {  	v4 =	vld [tilespmem:$0x410]  }
0xab: {  	v5 =	vld [tilespmem:$0x510]  }
0xac: {  	v6 =	vld [tilespmem:$0x320]  }
0xad: {  	v7 =	vld [tilespmem:$0x420]  }
0xae: {  	v39 =	vld [tilespmem:$0x520]  }
0xaf: {  	v42 =	vld [tilespmem:$0x330]  }
0xb0: {  	v8 =	vld [tilespmem:$0x430]  }
0xb1: {  	v44 =	vld [tilespmem:$0x530]  }
0xb2: {  	v9 =	vld [tilespmem:$0x340]  }
0xb3: {  	v46 =	vld [tilespmem:$0x440]  }
0xb4: {  	v48 =	vld [tilespmem:$0x540]  }
0xb5: {  	v10 =	vld [tilespmem:$0x350]  }
0xb6: {  	v50 =	vld [tilespmem:$0x450]  }
0xb7: {  	v52 =	vld [tilespmem:$0x550];
	vm0 =	vgt.s32 v0, $0x0;
	vm1 =	vgt.s32 v1, $0x0;
	vm6 =	vgt.s32 v2, $0x0  }
0xb8: {  	v56 =	vld [tilespmem:$0x360];
	vm7 =	vgt.s32 v3, $0x0;
	vm8 =	vgt.s32 v4, $0x0;
	vm9 =	vgt.s32 v5, $0x0  }
0xb9: {  	v11 =	vld [tilespmem:$0x460];
	vm10 =	vgt.s32 v6, $0x0;
	vm11 =	vgt.s32 v7, $0x0;
	vm12 =	vgt.s32 v39, $0x0  }
0xba: {  	v58 =	vld [tilespmem:$0x560];
	vm13 =	vgt.s32 v42, $0x0;
	vm14 =	vgt.s32 v8, $0x0;
	vm15 =	vgt.s32 v44, $0x0  }
0xbb: {  	v12 =	vld [tilespmem:$0x370];
	vm4 =	vgt.s32 v9, $0x0;
	vm5 =	vgt.s32 v46, $0x0;
	v0 =	vnsel vm0, $0x0, v0  }
0xbc: {  	v60 =	vld [tilespmem:$0x470];
	v1 =	vnsel vm1, $0x0, v1;
	v2 =	vnsel vm6, $0x0, v2;
	v38 =	vnsel vm7, $0x0, v3  }
0xbd: {  	v62 =	vld [tilespmem:$0x570];
	v40 =	vnsel vm8, $0x0, v4;
	v41 =	vnsel vm9, $0x0, v5;
	v6 =	vnsel vm10, $0x0, v6  }
0xbe: {  	v13 =	vld [tilespmem:$0x380];
	v43 =	vnsel vm11, $0x0, v7;
	v3 =	vnsel vm12, $0x0, v39;
	v45 =	vnsel vm13, $0x0, v42  }
0xbf: {  	v63 =	vld [tilespmem:$0x480];
	v47 =	vnsel vm14, $0x0, v8;
	v7 =	vnsel vm15, $0x0, v44;
	v51 =	vnsel vm4, $0x0, v9  }
0xc0: {  	v17 =	vld [tilespmem:$0x580];
	v53 =	vnsel vm5, $0x0, v46;
	vm6 =	vgt.s32 v48, $0x0;
	vm7 =	vgt.s32 v10, $0x0  }
0xc1: {  	v21 =	vld [tilespmem:$0x390];
	vm8 =	vgt.s32 v50, $0x0;
	vm9 =	vgt.s32 v52, $0x0;
	vm10 =	vgt.s32 v56, $0x0  }
0xc2: {  	v14 =	vld [tilespmem:$0x490];
	vm11 =	vgt.s32 v11, $0x0;
	vm12 =	vgt.s32 v58, $0x0;
	vm13 =	vgt.s32 v12, $0x0  }
0xc3: {  	v23 =	vld [tilespmem:$0x590];
	vm14 =	vgt.s32 v60, $0x0;
	vm15 =	vgt.s32 v62, $0x0;
	vm4 =	vgt.s32 v13, $0x0  }
0xc4: {  	v15 =	vld [tilespmem:$0x3A0];
	vm5 =	vgt.s32 v63, $0x0;
	v0 =	vmin.u32 v0, $0x40;
	v1 =	vmin.u32 v1, $0x40  }
0xc5: {  	v25 =	vld [tilespmem:$0x4A0];
	v2 =	vmin.u32 v2, $0x40;
	v4 =	vmin.u32 v41, $0x40;
	v6 =	vmin.u32 v6, $0x40  }
0xc6: {  	v27 =	vld [tilespmem:$0x5A0];
	v3 =	vmin.u32 v3, $0x40;
	v49 =	vmin.u32 v7, $0x40;
	v54 =	vmin.u32 v51, $0x40  }
0xc7: {  	v28 =	vld [tilespmem:$0x4B0];
	v55 =	vnsel vm6, $0x0, v48;
	v10 =	vnsel vm7, $0x0, v10;
	v57 =	vnsel vm8, $0x0, v50  }
0xc8: {  	v30 =	vld [tilespmem:$0x5B0];
	v9 =	vnsel vm9, $0x0, v52;
	v59 =	vnsel vm10, $0x0, v56;
	v61 =	vnsel vm11, $0x0, v11  }
0xc9: {  	v34 =	vld [tilespmem:$0x3C0];
	v7 =	vnsel vm12, $0x0, v58;
	v16 =	vnsel vm13, $0x0, v12;
	v18 =	vnsel vm14, $0x0, v60  }
0xca: {  	v20 =	vnsel vm15, $0x0, v62;
	v13 =	vnsel vm4, $0x0, v13;
	v22 =	vnsel vm5, $0x0, v63  }
0xcb: {  	vm6 =	vgt.s32 v17, $0x0;
	vm7 =	vgt.s32 v21, $0x0;
	vm8 =	vgt.s32 v14, $0x0  }
0xcc: {  	vm9 =	vgt.s32 v23, $0x0;
	vm10 =	vgt.s32 v15, $0x0;
	vm11 =	vgt.s32 v25, $0x0  }
0xcd: {  	vm12 =	vgt.s32 v27, $0x0;
	vm14 =	vgt.s32 v28, $0x0;
	vm15 =	vgt.s32 v30, $0x0  }
0xce: {  	vm4 =	vgt.s32 v34, $0x0;
	v0 =	vmul.u32 $0x1081, v0;
	v1 =	vmul.u32 $0x41, v1  }
0xcf: {  	v6 =	vmul.u32 $0x1081, v6;
	v5 =	vmul.u32 $0x1081, v54;
	v10 =	vmin.u32 v10, $0x40  }
0xd0: {  	v9 =	vmin.u32 v9, $0x40;
	v7 =	vmin.u32 v7, $0x40;
	v19 =	vmin.u32 v16, $0x40  }
0xd1: {  	v13 =	vmin.u32 v13, $0x40;
	v12 =	vnsel vm6, $0x0, v17;
	v24 =	vnsel vm7, $0x0, v21  }
0xd2: {  	v36 =	vld [tilespmem:$0x5C0];
	v26 =	vnsel vm8, $0x0, v14;
	v29 =	vnsel vm10, $0x0, v15;
	v0 =	vadd.s32 v0, v1  }
0xd3: {  	v1 =	vmin.u32 v38, $0x40;
	v0 =	vadd.s32 v2, v0;
	v2 =	vmin.u32 v40, $0x40  }
0xd4: {  	v31 =	vnsel vm11, $0x0, v25;
	v1 =	vmul.u32 $0x1081, v1;
	v2 =	vmul.u32 $0x41, v2  }
0xd5: {  	v33 =	vnsel vm12, $0x0, v27;
	v35 =	vnsel vm14, $0x0, v28;
	v15 =	vnsel vm15, $0x0, v30  }
0xd6: {  	v46 =	vld [tilespmem:$0x5E0];
	v37 =	vnsel vm4, $0x0, v34;
	v1 =	vadd.s32 v1, v2;
	v2 =	vmin.u32 v43, $0x40  }
0xd7: {  	vm6 =	vgt.s32 v36, $0x0;
	v10 =	vmul.u32 $0x1081, v10;
	v2 =	vmul.u32 $0x41, v2  }
0xd8: {  	v51 =	vld [tilespmem:$0x4F0];
	v8 =	vmul.u32 $0x1081, v19;
	v13 =	vmul.u32 $0x1081, v13;
	v1 =	vadd.s32 v4, v1  }
0xd9: {  	v16 =	vld [tilespmem:$0x3B0];
	v4 =	vmin.u32 v45, $0x40;
	v2 =	vadd.s32 v6, v2;
	v6 =	vmin.u32 v47, $0x40  }
0xda: {  	v17 =	vld [tilespmem:$0x4C0];
	v12 =	vmin.u32 v12, $0x40;
	v4 =	vmul.u32 $0x1081, v4;
	v6 =	vmul.u32 $0x41, v6  }
0xdb: {  	v32 =	vmin.u32 v29, $0x40;
	v15 =	vmin.u32 v15, $0x40;
	vm12 =	vgt.s32 v46, $0x0  }
0xdc: {  	v19 =	vld [tilespmem:$0x3E0];
	v11 =	vmul.u32 $0x1081, v32;
	v56 =	vnsel vm12, $0x0, v46;
	v4 =	vadd.s32 v4, v6  }
0xdd: {  	v38 =	vld [tilespmem:$0x4D0];
	v2 =	vadd.s32 v3, v2;
	v3 =	vadd.s32 v49, v4;
	v4 =	vmin.u32 v53, $0x40  }
0xde: {  	vm14 =	vgt.s32 v51, $0x0;
	vm13 =	vgt.s32 v16, $0x0;
	v4 =	vmul.u32 $0x41, v4  }
0xdf: {  	vm5 =	vgt.s32 v17, $0x0;
	v58 =	vnsel vm14, $0x0, v51;
	v16 =	vnsel vm13, $0x0, v16  }
0xe0: {  	v48 =	vld [tilespmem:$0x3F0];
	v39 =	vnsel vm5, $0x0, v17;
	v4 =	vadd.s32 v5, v4;
	v5 =	vmin.u32 v57, $0x40  }
0xe1: {  	v43 =	vld [tilespmem:$0x4E0];
	vm10 =	vgt.s32 v19, $0x0;
	v6 =	vmin.u32 v55, $0x40;
	v5 =	vmul.u32 $0x41, v5  }
0xe2: {  	v16 =	vmin.u32 v16, $0x40;
	vm8 =	vgt.s32 v38, $0x0;
	v55 =	vld [tilespmem:$0x5F0];
	v4 =	vadd.s32 v6, v4  }
0xe3: {  	v6 =	vmin.u32 v59, $0x40;
	v5 =	vadd.s32 v10, v5;
	v10 =	vmin.u32 v61, $0x40  }
0xe4: {  	v47 =	vnsel vm8, $0x0, v38;
	v6 =	vmul.u32 $0x1081, v6;
	v10 =	vmul.u32 $0x41, v10  }
0xe5: {  	vm13 =	vgt.s32 v48, $0x0;
	v16 =	vmul.u32 $0x1081, v16;
	[tilespmem:$0x720] =	vst v2;
	v2 =	vmin.u32 v47, $0x40  }
0xe6: {  	vm11 =	vgt.s32 v43, $0x0;
	v2 =	vmul.u32 $0x41, v2;
	v6 =	vadd.s32 v6, v10  }
0xe7: {  	v40 =	vld [tilespmem:$0x5D0];
	vm15 =	vgt.s32 v55, $0x0;
	v6 =	vadd.s32 v7, v6;
	v7 =	vmin.u32 v18, $0x40  }
0xe8: {  	v54 =	vnsel vm11, $0x0, v43;
	v62 =	vnsel vm15, $0x0, v55;
	v7 =	vmul.u32 $0x41, v7  }
0xe9: {  	v53 =	vnsel vm10, $0x0, v19;
	v57 =	vnsel vm13, $0x0, v48;
	v63 =	vmin.u32 v62, $0x40  }
0xea: {  	v5 =	vadd.s32 v9, v5;
	v18 =	vld [tilespmem:$0x3D0];
	v7 =	vadd.s32 v8, v7;
	v8 =	vmin.u32 v22, $0x40  }
0xeb: {  	v9 =	vnsel vm9, $0x0, v23;
	v10 =	vmin.u32 v20, $0x40;
	v8 =	vmul.u32 $0x41, v8  }
0xec: {  	vm9 =	vgt.s32 v40, $0x0;
	v9 =	vmin.u32 v9, $0x40;
	v7 =	vadd.s32 v10, v7  }
0xed: {  	v10 =	vmin.u32 v24, $0x40;
	v8 =	vadd.s32 v13, v8;
	v13 =	vmin.u32 v26, $0x40  }
0xee: {  	v50 =	vnsel vm9, $0x0, v40;
	v10 =	vmul.u32 $0x1081, v10;
	v13 =	vmul.u32 $0x41, v13  }
0xef: {  	[tilespmem:$0x750] =	vst v5;
	v5 =	vmin.u32 v53, $0x40;
	v52 =	vmin.u32 v50, $0x40;
	vm7 =	vgt.s32 v18, $0x0  }
0xf0: {  	[tilespmem:$0x770] =	vst v7;
	v7 =	vmin.u32 v57, $0x40;
	v45 =	vnsel vm7, $0x0, v18;
	v10 =	vadd.s32 v10, v13  }
0xf1: {  	[tilespmem:$0x700] =	vst v0;
	v59 =	vmul.u32 $0x1081, v7;
	v9 =	vadd.s32 v9, v10;
	v10 =	vmin.u32 v31, $0x40  }
0xf2: {  	[tilespmem:$0x730] =	vst v3;
	v8 =	vadd.s32 v12, v8;
	v49 =	vmin.u32 v45, $0x40;
	v10 =	vmul.u32 $0x41, v10  }
0xf3: {  	v3 =	vmul.u32 $0x1081, v49;
	[tilespmem:$0x780] =	vst v8;
	v8 =	vmin.u32 v58, $0x40;
	v13 =	vmin.u32 v33, $0x40  }
0xf4: {  	[tilespmem:$0x710] =	vst v1;
	v60 =	vmul.u32 $0x41, v8;
	v10 =	vadd.s32 v11, v10;
	v11 =	vmin.u32 v35, $0x40  }
0xf5: {  	[tilespmem:$0x740] =	vst v4;
	v2 =	vadd.s32 v3, v2;
	v3 =	vmin.u32 v54, $0x40;
	v11 =	vmul.u32 $0x41, v11  }
0xf6: {  	[tilespmem:$0x760] =	vst v6;
	v2 =	vadd.s32 v52, v2;
	v0 =	vadd.s32 v59, v60;
	v10 =	vadd.s32 v13, v10  }
0xf7: {  	[tilespmem:$0x790] =	vst v9;
	v13 =	vmin.u32 v37, $0x40;
	v11 =	vadd.s32 v16, v11;
	v16 =	vmin.u32 v39, $0x40  }
0xf8: {  	[tilespmem:$0x7D0] =	vst v2;
	v0 =	vadd.s32 v63, v0;
	v13 =	vmul.u32 $0x1081, v13;
	v16 =	vmul.u32 $0x41, v16  }
0xf9: {  	v5 =	vmul.u32 $0x1081, v5;
	v12 =	vnsel vm6, $0x0, v36;
	v3 =	vmul.u32 $0x41, v3;
	[tilespmem:$0x7F0] =	vst v0  }
0xfa: {  	v42 =	vmin.u32 v12, $0x40;
	[tilespmem:$0x7A0] =	vst v10;
	v41 =	vadd.s32 v15, v11;
	v44 =	vadd.s32 v13, v16  }
0xfb: {  	v4 =	vmin.u32 v56, $0x40;
	v61 =	vadd.s32 v5, v3;
	[tilespmem:$0x7B0] =	vst v41;
	v1 =	vadd.s32 v42, v44  }
0xfc: {  	p0 =	sgt.u32 s19, $0x3C;
	[tilespmem:$0x7C0] =	vst v1;
	v1 =	vadd.s32 v4, v61  }
0xfd: {  	s10 =	sadd.s32 @!p0 s9, s17;
	s11 =	simm.s32 @!p0 $0x0;
	s12 =	simm.s32 @!p0 $0x300;
	[tilespmem:$0x7E0] =	vst v1  }
0xfe: {  	[tilespmem:s12], [sflag:$0x2] =	stream.linear.gather @!p0 [hbm4b:s10+s11], $0x100, $0x38;
	[tilespmem:$0x10800] =	vst v63  }
0xff: {  	s10 =	sadd.s32 @!p0 s9, s16;
	s12 =	simm.s32 @!p0 $0x400  }
0x100: {  	[tilespmem:s12], [sflag:$0x2] =	stream.linear.gather @!p0 [hbm4b:s10+s11], $0x100, $0x38;
	[tilespmem:$0x10800] =	vst v63  }
0x101: {  	p1 =	seq.s32 @!p0 s9, $0x0;
	s10 =	sadd.s32 @!p0 s9, s15;
	s12 =	simm.s32 @!p0 $0x500  }
0x102: {  	[tilespmem:s12], [sflag:$0x2] =	stream.linear.gather @!p0 [hbm4b:s10+s11], $0x100, $0x38;
	[tilespmem:$0x10800] =	vst v63  }
0x103: {  	p0 =	por p0, !p1  }
0x104: {  	_ =	swait.ge @p0 [sflag:s4], $0x8000  }
0x105: {  	[sflag:s4] =	ssyncset.done @p0 $0x0  }
0x106: {  	[sflag:s4] =	ssyncadd.s32 @p0 $0xFFFF8000  }
0x107: {  	[tilespmem:s2], [sflag:$0x4] =	stream.indirect.gather [hbm4b:s3+s25], $0x80, s0, s25, $0xb8;
	[tilespmem:$0x10800] =	vst v63  }
0x108: {  	_ = 	snop  }
0x109: {  	[tilespmem:s22], [sflag:$0x4] =	stream.indirect.gather [hbm4b:s3+s25], $0x80, s21, s25, $0xb8;
	[tilespmem:$0x10800] =	vst v63  }
0x10a: {  	_ =	swait.ge [sflag:s23], $0x4000  }
0x10b: {  	[sflag:s23] =	ssyncset.done $0x0  }
0x10c: {  	[sflag:s23] =	ssyncadd.s32 $0xFFFFC000  }
0x10d: {  	_ =	swait.ge [sflag:s23], $0x4000  }
0x10e: {  	[sflag:s23] =	ssyncset.done $0x0  }
0x10f: {  	[sflag:s23] =	ssyncadd.s32 $0xFFFFC000  }
0x110: {  	[hbm4b:s18+s1] =	stream.linear.scatter [tilespmem:s28], [sflag:$0x5], $0x8000, $0x38;
	[tilespmem:$0x10800] =	vst v63  }
.LBB2_5:
0x111: {  	s9 =	sadd.s32 $0x20, s9  }
0x112: {  	p0 =	sne.s32 s9, $0x7E0  }
.Ltmp3:
0x113: {  	_ = 	snop;
	(pc) =	sbr.rel @!p0 .LBB2_6-.Ltmp3, $2  }
0x114: {  	_ =	sdelay $0x2  }
0x115: {  	s18 =	sadd.s32 $0x1000, s18;
	s19 =	sadd.s32 $0x1, s19  }
.LBB2_2:
0x116: {  	s10 =	sand.u32 $0x1, s19  }
0x117: {  	p0 =	seq.s32 s10, $0x0  }
.Ltmp4:
0x118: {  	_ = 	snop;
	(pc) =	sbr.rel @p0 .LBB2_4-.Ltmp4, $1  }
0x119: {  	_ =	sdelay $0x3  }
0x11a: {  	_ =	swait.ge [sflag:s24], $0x100  }
0x11b: {  	[sflag:s24] =	ssyncset.done $0x0  }
0x11c: {  	[sflag:s24] =	ssyncadd.s32 $0xFFFFFF00  }
0x11d: {  	_ =	swait.ge [sflag:s24], $0x100  }
0x11e: {  	[sflag:s24] =	ssyncset.done $0x0  }
0x11f: {  	[sflag:s24] =	ssyncadd.s32 $0xFFFFFF00  }
0x120: {  	_ =	swait.ge [sflag:s24], $0x100  }
0x121: {  	[sflag:s24] =	ssyncset.done $0x0  }
0x122: {  	[sflag:s24] =	ssyncadd.s32 $0xFFFFFF00  }
0x123: {  	v0 =	vld [tilespmem:$0x0]  }
0x124: {  	v1 =	vld [tilespmem:$0x100]  }
0x125: {  	v2 =	vld [tilespmem:$0x200]  }
0x126: {  	v3 =	vld [tilespmem:$0x10]  }
0x127: {  	v4 =	vld [tilespmem:$0x110]  }
0x128: {  	v5 =	vld [tilespmem:$0x210]  }
0x129: {  	v6 =	vld [tilespmem:$0x20]  }
0x12a: {  	v7 =	vld [tilespmem:$0x120]  }
0x12b: {  	v39 =	vld [tilespmem:$0x220]  }
0x12c: {  	v42 =	vld [tilespmem:$0x30]  }
0x12d: {  	v8 =	vld [tilespmem:$0x130]  }
0x12e: {  	v44 =	vld [tilespmem:$0x230]  }
0x12f: {  	v9 =	vld [tilespmem:$0x40]  }
0x130: {  	v46 =	vld [tilespmem:$0x140]  }
0x131: {  	v48 =	vld [tilespmem:$0x240]  }
0x132: {  	v10 =	vld [tilespmem:$0x50]  }
0x133: {  	v50 =	vld [tilespmem:$0x150]  }
0x134: {  	v52 =	vld [tilespmem:$0x250];
	vm0 =	vgt.s32 v0, $0x0;
	vm1 =	vgt.s32 v1, $0x0;
	vm6 =	vgt.s32 v2, $0x0  }
0x135: {  	v56 =	vld [tilespmem:$0x60];
	vm7 =	vgt.s32 v3, $0x0;
	vm8 =	vgt.s32 v4, $0x0;
	vm9 =	vgt.s32 v5, $0x0  }
0x136: {  	v11 =	vld [tilespmem:$0x160];
	vm10 =	vgt.s32 v6, $0x0;
	vm11 =	vgt.s32 v7, $0x0;
	vm12 =	vgt.s32 v39, $0x0  }
0x137: {  	v58 =	vld [tilespmem:$0x260];
	vm13 =	vgt.s32 v42, $0x0;
	vm14 =	vgt.s32 v8, $0x0;
	vm15 =	vgt.s32 v44, $0x0  }
0x138: {  	v12 =	vld [tilespmem:$0x70];
	vm4 =	vgt.s32 v9, $0x0;
	vm5 =	vgt.s32 v46, $0x0;
	v0 =	vnsel vm0, $0x0, v0  }
0x139: {  	v60 =	vld [tilespmem:$0x170];
	v1 =	vnsel vm1, $0x0, v1;
	v2 =	vnsel vm6, $0x0, v2;
	v38 =	vnsel vm7, $0x0, v3  }
0x13a: {  	v62 =	vld [tilespmem:$0x270];
	v40 =	vnsel vm8, $0x0, v4;
	v41 =	vnsel vm9, $0x0, v5;
	v6 =	vnsel vm10, $0x0, v6  }
0x13b: {  	v13 =	vld [tilespmem:$0x80];
	v43 =	vnsel vm11, $0x0, v7;
	v3 =	vnsel vm12, $0x0, v39;
	v45 =	vnsel vm13, $0x0, v42  }
0x13c: {  	v63 =	vld [tilespmem:$0x180];
	v47 =	vnsel vm14, $0x0, v8;
	v7 =	vnsel vm15, $0x0, v44;
	v51 =	vnsel vm4, $0x0, v9  }
0x13d: {  	v17 =	vld [tilespmem:$0x280];
	v53 =	vnsel vm5, $0x0, v46;
	vm6 =	vgt.s32 v48, $0x0;
	vm7 =	vgt.s32 v10, $0x0  }
0x13e: {  	v21 =	vld [tilespmem:$0x90];
	vm8 =	vgt.s32 v50, $0x0;
	vm9 =	vgt.s32 v52, $0x0;
	vm10 =	vgt.s32 v56, $0x0  }
0x13f: {  	v14 =	vld [tilespmem:$0x190];
	vm11 =	vgt.s32 v11, $0x0;
	vm12 =	vgt.s32 v58, $0x0;
	vm13 =	vgt.s32 v12, $0x0  }
0x140: {  	v23 =	vld [tilespmem:$0x290];
	vm14 =	vgt.s32 v60, $0x0;
	vm15 =	vgt.s32 v62, $0x0;
	vm4 =	vgt.s32 v13, $0x0  }
0x141: {  	v15 =	vld [tilespmem:$0xA0];
	vm5 =	vgt.s32 v63, $0x0;
	v0 =	vmin.u32 v0, $0x40;
	v1 =	vmin.u32 v1, $0x40  }
0x142: {  	v25 =	vld [tilespmem:$0x1A0];
	v2 =	vmin.u32 v2, $0x40;
	v4 =	vmin.u32 v41, $0x40;
	v6 =	vmin.u32 v6, $0x40  }
0x143: {  	v27 =	vld [tilespmem:$0x2A0];
	v3 =	vmin.u32 v3, $0x40;
	v49 =	vmin.u32 v7, $0x40;
	v54 =	vmin.u32 v51, $0x40  }
0x144: {  	v28 =	vld [tilespmem:$0x1B0];
	v55 =	vnsel vm6, $0x0, v48;
	v10 =	vnsel vm7, $0x0, v10;
	v57 =	vnsel vm8, $0x0, v50  }
0x145: {  	v30 =	vld [tilespmem:$0x2B0];
	v9 =	vnsel vm9, $0x0, v52;
	v59 =	vnsel vm10, $0x0, v56;
	v61 =	vnsel vm11, $0x0, v11  }
0x146: {  	v34 =	vld [tilespmem:$0xC0];
	v7 =	vnsel vm12, $0x0, v58;
	v16 =	vnsel vm13, $0x0, v12;
	v18 =	vnsel vm14, $0x0, v60  }
0x147: {  	v20 =	vnsel vm15, $0x0, v62;
	v13 =	vnsel vm4, $0x0, v13;
	v22 =	vnsel vm5, $0x0, v63  }
0x148: {  	vm6 =	vgt.s32 v17, $0x0;
	vm7 =	vgt.s32 v21, $0x0;
	vm8 =	vgt.s32 v14, $0x0  }
0x149: {  	vm9 =	vgt.s32 v23, $0x0;
	vm10 =	vgt.s32 v15, $0x0;
	vm11 =	vgt.s32 v25, $0x0  }
0x14a: {  	vm12 =	vgt.s32 v27, $0x0;
	vm14 =	vgt.s32 v28, $0x0;
	vm15 =	vgt.s32 v30, $0x0  }
0x14b: {  	vm4 =	vgt.s32 v34, $0x0;
	v0 =	vmul.u32 $0x1081, v0;
	v1 =	vmul.u32 $0x41, v1  }
0x14c: {  	v6 =	vmul.u32 $0x1081, v6;
	v5 =	vmul.u32 $0x1081, v54;
	v10 =	vmin.u32 v10, $0x40  }
0x14d: {  	v9 =	vmin.u32 v9, $0x40;
	v7 =	vmin.u32 v7, $0x40;
	v19 =	vmin.u32 v16, $0x40  }
0x14e: {  	v13 =	vmin.u32 v13, $0x40;
	v12 =	vnsel vm6, $0x0, v17;
	v24 =	vnsel vm7, $0x0, v21  }
0x14f: {  	v36 =	vld [tilespmem:$0x2C0];
	v26 =	vnsel vm8, $0x0, v14;
	v29 =	vnsel vm10, $0x0, v15;
	v0 =	vadd.s32 v0, v1  }
0x150: {  	v1 =	vmin.u32 v38, $0x40;
	v0 =	vadd.s32 v2, v0;
	v2 =	vmin.u32 v40, $0x40  }
0x151: {  	v31 =	vnsel vm11, $0x0, v25;
	v1 =	vmul.u32 $0x1081, v1;
	v2 =	vmul.u32 $0x41, v2  }
0x152: {  	v33 =	vnsel vm12, $0x0, v27;
	v35 =	vnsel vm14, $0x0, v28;
	v15 =	vnsel vm15, $0x0, v30  }
0x153: {  	v46 =	vld [tilespmem:$0x2E0];
	v37 =	vnsel vm4, $0x0, v34;
	v1 =	vadd.s32 v1, v2;
	v2 =	vmin.u32 v43, $0x40  }
0x154: {  	vm6 =	vgt.s32 v36, $0x0;
	v10 =	vmul.u32 $0x1081, v10;
	v2 =	vmul.u32 $0x41, v2  }
0x155: {  	v51 =	vld [tilespmem:$0x1F0];
	v8 =	vmul.u32 $0x1081, v19;
	v13 =	vmul.u32 $0x1081, v13;
	v1 =	vadd.s32 v4, v1  }
0x156: {  	v16 =	vld [tilespmem:$0xB0];
	v4 =	vmin.u32 v45, $0x40;
	v2 =	vadd.s32 v6, v2;
	v6 =	vmin.u32 v47, $0x40  }
0x157: {  	v17 =	vld [tilespmem:$0x1C0];
	v12 =	vmin.u32 v12, $0x40;
	v4 =	vmul.u32 $0x1081, v4;
	v6 =	vmul.u32 $0x41, v6  }
0x158: {  	v32 =	vmin.u32 v29, $0x40;
	v15 =	vmin.u32 v15, $0x40;
	vm12 =	vgt.s32 v46, $0x0  }
0x159: {  	v19 =	vld [tilespmem:$0xE0];
	v11 =	vmul.u32 $0x1081, v32;
	v56 =	vnsel vm12, $0x0, v46;
	v4 =	vadd.s32 v4, v6  }
0x15a: {  	v38 =	vld [tilespmem:$0x1D0];
	v2 =	vadd.s32 v3, v2;
	v3 =	vadd.s32 v49, v4;
	v4 =	vmin.u32 v53, $0x40  }
0x15b: {  	vm14 =	vgt.s32 v51, $0x0;
	vm13 =	vgt.s32 v16, $0x0;
	v4 =	vmul.u32 $0x41, v4  }
0x15c: {  	vm5 =	vgt.s32 v17, $0x0;
	v58 =	vnsel vm14, $0x0, v51;
	v16 =	vnsel vm13, $0x0, v16  }
0x15d: {  	v48 =	vld [tilespmem:$0xF0];
	v39 =	vnsel vm5, $0x0, v17;
	v4 =	vadd.s32 v5, v4;
	v5 =	vmin.u32 v57, $0x40  }
0x15e: {  	v43 =	vld [tilespmem:$0x1E0];
	vm10 =	vgt.s32 v19, $0x0;
	v6 =	vmin.u32 v55, $0x40;
	v5 =	vmul.u32 $0x41, v5  }
0x15f: {  	v16 =	vmin.u32 v16, $0x40;
	vm8 =	vgt.s32 v38, $0x0;
	v55 =	vld [tilespmem:$0x2F0];
	v4 =	vadd.s32 v6, v4  }
0x160: {  	v6 =	vmin.u32 v59, $0x40;
	v5 =	vadd.s32 v10, v5;
	v10 =	vmin.u32 v61, $0x40  }
0x161: {  	v47 =	vnsel vm8, $0x0, v38;
	v6 =	vmul.u32 $0x1081, v6;
	v10 =	vmul.u32 $0x41, v10  }
0x162: {  	vm13 =	vgt.s32 v48, $0x0;
	v16 =	vmul.u32 $0x1081, v16;
	[tilespmem:$0x620] =	vst v2;
	v2 =	vmin.u32 v47, $0x40  }
0x163: {  	vm11 =	vgt.s32 v43, $0x0;
	v2 =	vmul.u32 $0x41, v2;
	v6 =	vadd.s32 v6, v10  }
0x164: {  	v40 =	vld [tilespmem:$0x2D0];
	vm15 =	vgt.s32 v55, $0x0;
	v6 =	vadd.s32 v7, v6;
	v7 =	vmin.u32 v18, $0x40  }
0x165: {  	v54 =	vnsel vm11, $0x0, v43;
	v62 =	vnsel vm15, $0x0, v55;
	v7 =	vmul.u32 $0x41, v7  }
0x166: {  	v53 =	vnsel vm10, $0x0, v19;
	v57 =	vnsel vm13, $0x0, v48;
	v63 =	vmin.u32 v62, $0x40  }
0x167: {  	v5 =	vadd.s32 v9, v5;
	v18 =	vld [tilespmem:$0xD0];
	v7 =	vadd.s32 v8, v7;
	v8 =	vmin.u32 v22, $0x40  }
0x168: {  	v9 =	vnsel vm9, $0x0, v23;
	v10 =	vmin.u32 v20, $0x40;
	v8 =	vmul.u32 $0x41, v8  }
0x169: {  	vm9 =	vgt.s32 v40, $0x0;
	v9 =	vmin.u32 v9, $0x40;
	v7 =	vadd.s32 v10, v7  }
0x16a: {  	v10 =	vmin.u32 v24, $0x40;
	v8 =	vadd.s32 v13, v8;
	v13 =	vmin.u32 v26, $0x40  }
0x16b: {  	v50 =	vnsel vm9, $0x0, v40;
	v10 =	vmul.u32 $0x1081, v10;
	v13 =	vmul.u32 $0x41, v13  }
0x16c: {  	[tilespmem:$0x650] =	vst v5;
	v5 =	vmin.u32 v53, $0x40;
	v52 =	vmin.u32 v50, $0x40;
	vm7 =	vgt.s32 v18, $0x0  }
0x16d: {  	[tilespmem:$0x670] =	vst v7;
	v7 =	vmin.u32 v57, $0x40;
	v45 =	vnsel vm7, $0x0, v18;
	v10 =	vadd.s32 v10, v13  }
0x16e: {  	[tilespmem:$0x600] =	vst v0;
	v59 =	vmul.u32 $0x1081, v7;
	v9 =	vadd.s32 v9, v10;
	v10 =	vmin.u32 v31, $0x40  }
0x16f: {  	[tilespmem:$0x630] =	vst v3;
	v8 =	vadd.s32 v12, v8;
	v49 =	vmin.u32 v45, $0x40;
	v10 =	vmul.u32 $0x41, v10  }
0x170: {  	v3 =	vmul.u32 $0x1081, v49;
	[tilespmem:$0x680] =	vst v8;
	v8 =	vmin.u32 v58, $0x40;
	v13 =	vmin.u32 v33, $0x40  }
0x171: {  	[tilespmem:$0x610] =	vst v1;
	v60 =	vmul.u32 $0x41, v8;
	v10 =	vadd.s32 v11, v10;
	v11 =	vmin.u32 v35, $0x40  }
0x172: {  	[tilespmem:$0x640] =	vst v4;
	v2 =	vadd.s32 v3, v2;
	v3 =	vmin.u32 v54, $0x40;
	v11 =	vmul.u32 $0x41, v11  }
0x173: {  	[tilespmem:$0x660] =	vst v6;
	v2 =	vadd.s32 v52, v2;
	v0 =	vadd.s32 v59, v60;
	v10 =	vadd.s32 v13, v10  }
0x174: {  	[tilespmem:$0x690] =	vst v9;
	v13 =	vmin.u32 v37, $0x40;
	v11 =	vadd.s32 v16, v11;
	v16 =	vmin.u32 v39, $0x40  }
0x175: {  	[tilespmem:$0x6D0] =	vst v2;
	v0 =	vadd.s32 v63, v0;
	v13 =	vmul.u32 $0x1081, v13;
	v16 =	vmul.u32 $0x41, v16  }
0x176: {  	v5 =	vmul.u32 $0x1081, v5;
	v12 =	vnsel vm6, $0x0, v36;
	v3 =	vmul.u32 $0x41, v3;
	[tilespmem:$0x6F0] =	vst v0  }
0x177: {  	v42 =	vmin.u32 v12, $0x40;
	[tilespmem:$0x6A0] =	vst v10;
	v41 =	vadd.s32 v15, v11;
	v44 =	vadd.s32 v13, v16  }
0x178: {  	v4 =	vmin.u32 v56, $0x40;
	v61 =	vadd.s32 v5, v3;
	[tilespmem:$0x6B0] =	vst v41;
	v1 =	vadd.s32 v42, v44  }
0x179: {  	p0 =	sgt.u32 s19, $0x3C;
	[tilespmem:$0x6C0] =	vst v1;
	v1 =	vadd.s32 v4, v61  }
0x17a: {  	s20 =	sadd.s32 @!p0 s9, s17;
	s11 =	simm.s32 @!p0 $0x0;
	[tilespmem:$0x6E0] =	vst v1  }
0x17b: {  	[tilespmem:s11], [sflag:$0x1] =	stream.linear.gather @!p0 [hbm4b:s20+s11], $0x100, $0x38;
	[tilespmem:$0x10800] =	vst v63  }
0x17c: {  	s12 =	simm.s32 @!p0 $0x100;
	s20 =	sadd.s32 @!p0 s9, s16  }
0x17d: {  	[tilespmem:s12], [sflag:$0x1] =	stream.linear.gather @!p0 [hbm4b:s20+s11], $0x100, $0x38;
	[tilespmem:$0x10800] =	vst v63  }
0x17e: {  	p1 =	seq.s32 @!p0 s9, $0x0;
	s12 =	sadd.s32 @!p0 s9, s15;
	s20 =	simm.s32 @!p0 $0x200  }
0x17f: {  	[tilespmem:s20], [sflag:$0x1] =	stream.linear.gather @!p0 [hbm4b:s12+s11], $0x100, $0x38;
	[tilespmem:$0x10800] =	vst v63  }
0x180: {  	p0 =	por p0, !p1  }
0x181: {  	_ =	swait.ge @p0 [sflag:s6], $0x8000  }
0x182: {  	[sflag:s6] =	ssyncset.done @p0 $0x0  }
0x183: {  	[sflag:s6] =	ssyncadd.s32 @p0 $0xFFFF8000  }
0x184: {  	[tilespmem:s28], [sflag:$0x3] =	stream.indirect.gather [hbm4b:s3+s25], $0x80, s26, s25, $0xb8;
	[tilespmem:$0x10800] =	vst v63  }
0x185: {  	_ = 	snop  }
0x186: {  	[tilespmem:s30], [sflag:$0x3] =	stream.indirect.gather [hbm4b:s3+s25], $0x80, s29, s25, $0xb8;
	[tilespmem:$0x10800] =	vst v63  }
0x187: {  	_ =	swait.ge [sflag:s5], $0x4000  }
0x188: {  	p0 =	seq.s32 s10, $0x1;
	[sflag:s5] =	ssyncset.done $0x0  }
.Ltmp5:
0x189: {  	[sflag:s5] =	ssyncadd.s32 $0xFFFFC000;
	(pc) =	sbr.rel @p0 .LBB2_5-.Ltmp5, $4  }
.Ltmp6:
0x18a: {  	_ =	swait.ge [sflag:s5], $0x4000;
	(pc) =	sbr.rel @!p0 .LBB2_4-.Ltmp6, $4  }
0x18b: {  	[sflag:s5] =	ssyncset.done $0x0  }
0x18c: {  	[sflag:s5] =	ssyncadd.s32 $0xFFFFC000  }
0x18d: {  	[hbm4b:s18+s1] =	stream.linear.scatter [tilespmem:s2], [sflag:$0x6], $0x8000, $0x38;
	[tilespmem:$0x10800] =	vst v63  }
0x18e: {  	_ = 	snop  }
.LBB2_7:
0x18f: {  	_ =	sfence.sel $0x180000  }
0x190: {  	[bflag:$0x0] =	sbarrier.arrive $0xFFFF  }
0x191: {  	_ =	strace $0x90000047  }
0x192: {  	s0 =	stileid.u32;
	[bflag:$0x2] =	sbarrier.arrive $0xFFFF  }
0x193: {  	p0 =	sne.s32 s0, $0x0;
	s0 =	rddreg [dreg:$0x2]  }
0x194: {  	s0 =	sadd.s32 @!p0 $0x100000, s0  }
0x195: {  	[sflag:s0] =	ssyncadd.tile.s32 @!p0 $0x1;
	_ =	shalt  }
.Lfunc_end2:
_tile_overlayer_lowered:
.L_overlay_start_2:
0x196: {  	(tag) =	ssettag $0x2  }
0x197: {  	s0 =	rddreg [dreg:$0x0];
	s2 =	stileid.u32  }
0x198: {  	s1 =	rddreg [dreg:$0x1];
	p0 =	sne.s32 s2, $0x0  }
0x199: {  	s3 =	rddreg [dreg:$0x2];
	[bflag:$0x3] =	sbarrier.arrive $0xFFFF;
	s2 =	simm.s32 @!p0 $0x1C07  }
0x19a: {  	[timem:s3], [sflag:s2] =	dma.local @!p0 [hbm:s0], s1  }
0x19b: {  	s0 =	simm.s32 @!p0 $0x7  }
0x19c: {  	_ =	swait.ge @!p0 [sflag:s0], s1  }
0x19d: {  	s1 =	ssub.s32 @!p0 $0x0, s1;
	[sflag:s0] =	ssyncset.done @!p0 $0x0  }
0x19e: {  	[sflag:s0] =	ssyncadd.s32 @!p0 s1  }
0x19f: {  	[bflag:$0x3] =	sbarrier.arrive $0xFFFF  }
0x1a0: {  	_ =	shalt  }

// kernel: sparse-core-data-format-call.cloned.1.call-start
scs
called_computation_lowered:
.L_overlay_start_0:
0x0: {  	s2 =	sld [smem:$0x3FD9]  }
0x1: {  	s3 =	sld [smem:$0x3FFE];
	_ =	sdelay $0x1  }
0x2: {  	s1 =	srdreg.scid  }
0x3: {  	s0 =	sand.u32 $0x1, s1  }
0x4: {  	s18 =	sshll.u32 s0, $0xA;
	s2 =	sadd.s32 s3, s2  }
0x5: {  	s2 =	sadd.s32 s2, s18  }
0x6: {  	[smem:$0x3FC6] =	sst s2  }
0x7: {  	_ = 	snop  }
0x8: {  	s2 =	sld [smem:$0x3FD0];
	(tm) =	ssettm $0x1  }
0x9: {  	s19 =	sld [smem:$0x3FFB];
	_ =	sdelay $0x3  }
0xa: {  	_ =	strace s19  }
0xb: {  	s3 =	sld [smem:$0x3FFC];
	_ =	sdelay $0x3  }
0xc: {  	_ =	strace s3  }
0xd: {  	s3 =	sld [smem:$0x3FFD];
	_ =	sdelay $0x3  }
0xe: {  	_ =	strace s3  }
0xf: {  	_ =	strace $0x8FFFFFFF  }
0x10: {  	s20 =	sld [smem:$0x3FDB];
	_ =	sdelay $0x1  }
0x11: {  	s4 =	simm.s32 $_scs_section_size  }
0x12: {  	s5 =	simm.s32 $_size__tile_overlayer_lowered;
	s6 =	simm.s32 $_tile_overlayer_lowered  }
0x13: {  	s23 =	simm.s32 $0x1BFF;
	s22 =	sshll.u32 s6, $0x1;
	s3 =	sadd.s32 s4, s20  }
0x14: {  	s7 =	simm.s32 $0x0;
	s21 =	sshll.u32 s5, $0x1;
	s5 =	sadd.s32 s22, s3  }
0x15: {  	[timem:s7], [sflag:s23] =	dma.local [hbm:s5], s21  }
0x16: {  	_ =	swait.ge [sflag:s23], s21  }
0x17: {  	s4 =	ssub.s32 $0x0, s21;
	[sflag:s23] =	ssyncset.done $0x0  }
0x18: {  	[sflag:s23] =	ssyncadd.s32 s4;
	_ =	sdelay $0x1  }
0x19: {  	s24 =	simm.s32 $0x1B8B  }
0x1a: {  	_ =	swait.ge [sflag:s24], $0x1  }
0x1b: {  	[sflag:s24] =	ssyncset.done $0x0  }
0x1c: {  	s26 =	simm.s32 $0x1B8E;
	s25 =	sld [smem:$0x3FFE];
	[sflag:s24] =	ssyncadd.s32 $0xFFFFFFFF  }
0x1d: {  	s27 =	simm.s32 $execute0_lowered;
	[smem:$0x3FD2] =	sst s26  }
0x1e: {  	s5 =	sshll.u32 s27, $0x1;
	_ =	strace $0x80000049;
	[dreg:$0x1] =	wrdreg $0xFFFFFFFF  }
0x1f: {  	s28 =	simm.s32 $_size_execute0_lowered;
	s3 =	sadd.s32 s3, s5;
	[dreg:$0x0] =	wrdreg $0x0  }
0x20: {  	s5 =	sshll.u32 s28, $0x1;
	[dreg:$0x2] =	wrdreg s3  }
0x21: {  	[dreg:$0x3] =	wrdreg s5  }
0x22: {  	[dreg:$0x4] =	wrdreg $0xC0  }
0x23: {  	_ =	task [dreg:s7], $0x5FFFF  }
0x24: {  	[dreg:$0x1] =	wrdreg $0xFFFFFFFF  }
0x25: {  	[dreg:$0x0] =	wrdreg $0x60  }
0x26: {  	[dreg:$0x2] =	wrdreg s25  }
0x27: {  	[dreg:$0x3] =	wrdreg s2  }
0x28: {  	[dreg:$0x4] =	wrdreg $0x9  }
0x29: {  	_ =	task.clear_ibuf [dreg:s7], $0x5FFFF;
	_ =	strace $0x90000049  }
0x2a: {  	s29 =	simm.s32 $0x9;
	_ =	strace $0x8000004B  }
0x2b: {  	_ =	swait.ge [sflag:s29], $0x1  }
0x2c: {  	[sflag:s29] =	ssyncadd.s32 $0xFFFFFFFF  }
0x2d: {  	_ =	strace $0x9000004B  }
0x2e: {  	_ =	sfence  }
0x2f: {  	s30 =	sld [smem:$0x0];
	_ =	sdelay $0x2  }
0x30: {  	s31 =	sshll.u32 s1, $0xD;
	s1 =	sshrl.u32 s1, $0x2  }
0x31: {  	s3 =	sand.u32 $0x4000, s31;
	s1 =	sadd.s32 s1, s30  }
0x32: {  	s0 =	sor.u32 s3, s0;
	s1 =	sshll.u32 s1, $0x11  }
0x33: {  	s0 =	sor.u32 s1, s0  }
0x34: {  	s0 =	sadd.s32 $0x8F2B, s0  }
0x35: {  	[sflag:s0] =	ssyncadd.remote.s32 $0x1  }
0x36: {  	_ =	sfence.sel $0xFFFF  }
0x37: {  	[dreg:$0x0] =	wrdreg $0xFFFFFFFF;
	(pc) =	sbr.abs _section_cstart, $3  }
0x38: {  	[dreg:$0x1] =	wrdreg $0xFFFFFFFF  }
0x39: {  	_ =	task.clear_ibuf [dreg:s7], $0x2FFFF;
	_ =	strace $0x9FFFFFFF  }
0x3a: {  	(tm) =	ssettm $0x7FFFFFFF  }
0x3b: {  	_ =	shalt  }
tec
execute0_lowered:
.L_overlay_start_1:
0x0: {  	(tag) =	ssettag $0x1  }
0x1: {  	s0 =	srdreg.scid  }
0x2: {  	s1 =	sshll.u32 s0, $0x4  }
0x3: {  	s4 =	rddreg [dreg:$0x0];
	s0 =	stileid.u32;
	s1 =	sand.u32 $0x10, s1  }
0x4: {  	s2 =	rddreg [dreg:$0x1];
	s7 =	simm.s32 $0x1;
	s1 =	sor.u32 s0, s1  }
0x5: {  	s8 =	simm.s32 $0x2;
	s11 =	simm.s32 $0x0;
	s3 =	sshll.u32 s1, $0x7  }
0x6: {  	s10 =	simm.s32 $0x0;
	s4 =	sadd.s32 $0x882600, s4;
	s6 =	ssub.s32 $0x80000, s3  }
.Ltmp0:
0x7: {  	s1 =	rddreg [dreg:$0x2];
	s5 =	sand.u32 $0xF80, s6;
	(pc) =	sbr.rel .LBB1_1-.Ltmp0, $4  }
0x8: {  	_ =	strace $0x8000004A;
	s9 =	smov.u32 s3;
	p0 =	sne.s32 s5, $0x0  }
0x9: {  	s6 =	sshrl.u32 s6, $0xC;
	s5 =	simm.s32 $0x1;
	s7 =	simm.s32 @!p0 $0x0  }
0xa: {  	[sflag:s5] =	ssyncpa.u1 $0x0;
	p0 =	por $0x0, $0x0;
	s6 =	sadd.s32 s7, s6  }
0xb: {  	[sflag:s8] =	ssyncpa.u1 $0x0;
	s8 =	simm.s32 $0x400000;
	s7 =	sadd.s32 $0x1, s6  }
.LBB1_4:
0xc: {  	s14 =	sshll.u32 s11, $0x3  }
0xd: {  	s15 =	sand.u32 $0x78, s11;
	s14 =	sand.u32 $0x7FC00, s14  }
0xe: {  	[tilespmem:s13+$0x810 ss:$0x81] =	vst.msk $0xffff, v2;
	s29 =	sand.u32 $0x3F0000, s11;
	s30 =	sand.u32 $0x7, s11;
	s14 =	sor.u32 s15, s14  }
0xf: {  	[tilespmem:s13+$0x1020 ss:$0x81] =	vst.msk $0xffff, v0;
	s11 =	sshll.u32 s30, $0x12;
	s15 =	sadd.s32 s2, s29;
	s14 =	sshrl.u32 s14, $0x3  }
0x10: {  	[tilespmem:s13+$0x0 ss:$0x81] =	vst.msk $0xffff, v1;
	s11 =	sor.u32 $0x400, s11;
	s31 =	sadd.s32 s14, s15  }
0x11: {  	[hbm4b:s31+s11] =	stream.strided.scatter [tilespmem:s12], [sflag:$0x2], $0x2000, s8, s11, $0x20;
	[tilespmem:$0x8080] =	vst v63  }
.LBB1_5:
0x12: {  	s13 =	sadd.s32 $0x1000, s9  }
0x13: {  	p2 =	sgt.s32 s13, $0x7FFFF  }
0x14: {  	s13 =	smov.u32 @p2 s3;
	p2 =	sne.s32 s10, s7  }
.Ltmp1:
0x15: {  	p1 =	slt.u32 s10, $0x2;
	(pc) =	sbr.rel @!p2 .LBB1_6-.Ltmp1, $4  }
0x16: {  	s12 =	simm.s32 @!p1 $0x2  }
0x17: {  	s14 =	sadd.s32 $0x1, s10;
	_ =	swait.ge @!p1 [sflag:s12], $0x2000  }
0x18: {  	s11 =	smov.u32 s9;
	p0 =	por !p0, !p0;
	[sflag:s12] =	ssyncset.done @!p1 $0x0  }
0x19: {  	s10 =	smov.u32 s14;
	s9 =	smov.u32 s13;
	[sflag:s12] =	ssyncadd.s32 @!p1 $0xFFFFE000  }
.LBB1_1:
0x1a: {  	p1 =	sge.u32 s10, s6  }
0x1b: {  	s31 =	sadd.s32 $0xFFFFFFFF, s10;
	s12 =	sxor.u32 @!p1 $0xFFFFFFFF, s10;
	s13 =	sshll.u32 @!p1 s9, $0x4  }
0x1c: {  	s14 =	simm.s32 @!p1 $0x40;
	s12 =	sshll.u32 @!p1 s12, $0xD;
	s13 =	sand.u32 @!p1 $0x7FFFF0, s13  }
0x1d: {  	s15 =	simm.s32 @!p1 $0x80;
	s12 =	sand.u32 @!p1 $0x2000, s12;
	s13 =	sadd.s32 @!p1 s4, s13  }
0x1e: {  	[tilespmem:s12], [sflag:$0x1] =	stream.strided.gather @!p1 [hbm4b:s13+s14], $0x2000, s15, s14, $0x38;
	[tilespmem:$0x8080] =	vst v63  }
0x1f: {  	p1 =	sge.u32 s31, s6  }
.Ltmp2:
0x20: {  	_ = 	snop;
	(pc) =	sbr.rel @p1 .LBB1_5-.Ltmp2, $1  }
0x21: {  	_ =	sdelay $0x3  }
0x22: {  	s12 =	simm.s32 $0x1  }
0x23: {  	_ =	swait.ge [sflag:s5], $0x2000;
	s12 =	simm.s32 @!p0 $0x0  }
0x24: {  	[sflag:s5] =	ssyncset.done $0x0;
	s13 =	sshll.u32 s12, $0xD  }
0x25: {  	[sflag:s5] =	ssyncadd.s32 $0xFFFFE000;
	s16 =	sor.u32 $0x20, s13  }
0x26: {  	s12 =	smul.u32 $0x8100, s12;
	v3 =	vld [tilespmem:s16+$0x10]  }
0x27: {  	s30 =	sand.u32 $0x1, s10;
	v2 =	vld [tilespmem:s16+$0xFFFFFFF0]  }
0x28: {  	s13 =	smul.u32 $0x8100, s30;
	s12 =	sshrl.u32 s12, $0x2;
	v0 =	vld [tilespmem:s16+$0x0]  }
0x29: {  	v1 =	vld [tilespmem:s16+$0xFFFFFFE0];
	s14 =	sor.u32 $0x4000, s12  }
0x2a: {  	s31 =	sshrl.u32 s13, $0x2;
	s13 =	sadd.s32 $0x0, s14  }
0x2b: {  	s15 =	simm.s32 $0x4;
	s16 =	sadd.s32 $0x40, s16;
	s12 =	sor.u32 $0x4000, s31;
	[tilespmem:s13+$0x1830 ss:$0x81] =	vst.msk $0xffff, v3  }
.LBB1_3:
0x2c: {  	v3 =	vld [tilespmem:s16+$0x10];
	p1 =	sne.s32 s15, $0x1FC;
	[tilespmem:s13+$0x810 ss:$0x81] =	vst.msk $0xffff, v2;
	s17 =	smov.u32 s15;
	s15 =	sadd.s32 $0x4, s15  }
.Ltmp3:
0x2d: {  	v2 =	vld [tilespmem:s16+$0xFFFFFFF0];
	[tilespmem:s13+$0x1020 ss:$0x81] =	vst.msk $0xffff, v0;
	(pc) =	sbr.rel @p1 .LBB1_3-.Ltmp3, $4  }
0x2e: {  	v0 =	vld [tilespmem:s16+$0x0];
	[tilespmem:s13+$0x0 ss:$0x81] =	vst.msk $0xffff, v1  }
0x2f: {  	s13 =	sshra.s32 s17, $0x2;
	v1 =	vld [tilespmem:s16+$0xFFFFFFE0]  }
0x30: {  	s13 =	sadd.s32 s13, s14  }
0x31: {  	s16 =	sadd.s32 $0x40, s16;
	[tilespmem:s13+$0x1830 ss:$0x81] =	vst.msk $0xffff, v3  }
.Ltmp4:
0x32: {  	_ = 	snop;
	(pc) =	sbr.rel .LBB1_4-.Ltmp4, $1  }
0x33: {  	_ =	sdelay $0x3  }
.LBB1_6:
0x34: {  	_ =	sfence.sel $0x180000  }
0x35: {  	s2 =	simm.s32 $0x1;
	[bflag:$0x0] =	sbarrier.arrive $0xFFFF  }
0x36: {  	s31 =	simm.s32 $0x2;
	[sflag:s2] =	ssyncpa.u1 $0x1  }
0x37: {  	[sflag:s31] =	ssyncpa.u1 $0x1  }
0x38: {  	p0 =	sne.s32 s0, $0x0;
	_ =	strace $0x9000004A  }
0x39: {  	s0 =	sadd.s32 @!p0 $0x100000, s1;
	[bflag:$0x2] =	sbarrier.arrive $0xFFFF  }
0x3a: {  	[sflag:s0] =	ssyncadd.tile.s32 @!p0 $0x1;
	_ =	shalt  }
.Lfunc_end1:
_tile_overlayer_lowered:
.L_overlay_start_2:
0x3b: {  	(tag) =	ssettag $0x2  }
0x3c: {  	s0 =	rddreg [dreg:$0x0];
	s2 =	stileid.u32  }
0x3d: {  	s1 =	rddreg [dreg:$0x1];
	p0 =	sne.s32 s2, $0x0  }
0x3e: {  	s3 =	rddreg [dreg:$0x2];
	[bflag:$0x3] =	sbarrier.arrive $0xFFFF;
	s2 =	simm.s32 @!p0 $0x1C01  }
0x3f: {  	[timem:s3], [sflag:s2] =	dma.local @!p0 [hbm:s0], s1  }
0x40: {  	s0 =	simm.s32 @!p0 $0x1  }
0x41: {  	_ =	swait.ge @!p0 [sflag:s0], s1  }
0x42: {  	s1 =	ssub.s32 @!p0 $0x0, s1;
	[sflag:s0] =	ssyncset.done @!p0 $0x0  }
0x43: {  	[sflag:s0] =	ssyncadd.s32 @!p0 s1  }
0x44: {  	[bflag:$0x3] =	sbarrier.arrive $0xFFFF  }
0x45: {  	_ =	shalt  }

</sc_bundles>
